<compile_context>
chip_gen: v7x
topology: tpu7x:2x2x1
jax: 0.10.2.dev20260603
libtpu: 0.0.44.dev20260713+nightly
codegen_flags: <defaults>
</compile_context>

<pallas_src>
import functools

import jax
import jax.numpy as jnp
from jax import lax
from jax.experimental import pallas as pl
from jax.experimental.pallas import tpu as pltpu
from jax.experimental.pallas import tpu_sc as plsc

NUM_EMBEDDINGS = 1000000
EMBEDDING_DIM = 64
BATCH = 16384
FIELDS = 26

B_TOTAL = BATCH * FIELDS
NW = 32
B_PER_W = B_TOTAL // NW
CHUNK = 832
N_CHUNKS = B_PER_W // CHUNK

PAIR_SPLIT = 512000
T_ROWS = 6400
T_GRID = PAIR_SPLIT // T_ROWS
_LAST_B = (NUM_EMBEDDINGS - 1) // T_ROWS


def _transpose_body(a_ref, b_ref, o_ref):
    o_ref[:, 0:EMBEDDING_DIM] = a_ref[...].T
    o_ref[:, EMBEDDING_DIM:2 * EMBEDDING_DIM] = b_ref[...].T


_transpose_call = pl.pallas_call(
    _transpose_body,
    grid=(T_GRID,),
    in_specs=[
        pl.BlockSpec((EMBEDDING_DIM, T_ROWS), lambda i: (0, i)),
        pl.BlockSpec((EMBEDDING_DIM, T_ROWS),
                     lambda i: (0, jnp.minimum(T_GRID + i, _LAST_B))),
    ],
    out_specs=pl.BlockSpec((T_ROWS, 2 * EMBEDDING_DIM), lambda i: (i, 0)),
    out_shape=jax.ShapeDtypeStruct((PAIR_SPLIT, 2 * EMBEDDING_DIM), jnp.float32),
)


def _make_gather_kernel():
    mesh = plsc.VectorSubcoreMesh(core_axis_name="c", subcore_axis_name="s")

    @functools.partial(
        pl.kernel,
        mesh=mesh,
        out_type=jax.ShapeDtypeStruct((B_TOTAL, EMBEDDING_DIM), jnp.float32),
        compiler_params=pltpu.CompilerParams(use_tc_tiling_on_sc=False),
        scratch_types=[
            pltpu.VMEM((CHUNK,), jnp.int32),
            pltpu.VMEM((CHUNK,), jnp.int32),
            pltpu.VMEM((CHUNK, EMBEDDING_DIM), jnp.float32),
            pltpu.VMEM((CHUNK, EMBEDDING_DIM), jnp.float32),
            pltpu.SemaphoreType.DMA,
            pltpu.SemaphoreType.DMA,
            pltpu.SemaphoreType.DMA,
            pltpu.SemaphoreType.DMA,
        ],
    )
    def gather_kernel(table_hbm, idx_hbm, out_hbm,
                      idx0, idx1, rows0, rows1,
                      gsem0, gsem1, wsem0, wsem1):
        wid = lax.axis_index("s") * 2 + lax.axis_index("c")
        w_base = wid * B_PER_W

        idx_v = (idx0, idx1)
        rows_v = (rows0, rows1)
        gsem = (gsem0, gsem1)
        wsem = (wsem0, wsem1)
        gathers = [None, None]
        writes = [None, None]

        for i in range(N_CHUNKS):
            b = i % 2
            base = w_base + i * CHUNK
            if writes[b] is not None:
                writes[b].wait()
            pltpu.sync_copy(idx_hbm.at[pl.ds(base, CHUNK)], idx_v[b])

            def remap(j, carry, _ref=idx_v[b]):
                v = _ref[pl.ds(j * 16, 16)]
                v2 = jnp.where(v < PAIR_SPLIT, v + v,
                               v + v - (2 * PAIR_SPLIT - 1))
                _ref[pl.ds(j * 16, 16)] = v2
                return carry

            lax.fori_loop(0, CHUNK // 16, remap, 0)
            gathers[b] = pltpu.async_copy(table_hbm.at[idx_v[b]], rows_v[b], gsem[b])
            if i >= 1:
                pb = (i - 1) % 2
                pbase = w_base + (i - 1) * CHUNK
                gathers[pb].wait()
                writes[pb] = pltpu.async_copy(
                    rows_v[pb], out_hbm.at[pl.ds(pbase, CHUNK)], wsem[pb])

        last = N_CHUNKS - 1
        lb = last % 2
        gathers[lb].wait()
        writes[lb] = pltpu.async_copy(
            rows_v[lb], out_hbm.at[pl.ds(w_base + last * CHUNK, CHUNK)], wsem[lb])
        writes[0].wait()
        writes[1].wait()

    return gather_kernel


_gather = _make_gather_kernel()


@jax.jit
def kernel(input_indices, weight):
    wT = weight.T
    pairs = _transpose_call(wT, wT)
    table = pairs.reshape(2 * PAIR_SPLIT, EMBEDDING_DIM)
    idx_flat = input_indices.reshape(B_TOTAL)
    out_flat = _gather(table, idx_flat)
    return out_flat.reshape(BATCH, FIELDS, EMBEDDING_DIM)

# --- scband reference (transcript-rebuilt; emitter-appended) ---
"""Pipeline reference for scband-base-embedding-88192858456148 (READ-ONLY COPY).

The authoritative reference and input builder live on the scoring server;
editing this copy changes nothing except your own understanding.
"""

import jax, jax.numpy as jnp
import numpy as np

NUM_EMBEDDINGS = 1000000
EMBEDDING_DIM = 64
BATCH = 16384
FIELDS = 26

def setup_inputs(seed: int = 0) -> dict:
    key = jax.random.key(seed)
    k_idx, k_w = jax.random.split(key)
    input_indices = jax.random.randint(k_idx, (BATCH, FIELDS), 0, NUM_EMBEDDINGS, dtype=jnp.int32)
    # nn.Embedding default init: N(0, 1)
    weight = jax.random.normal(k_w, (NUM_EMBEDDINGS, EMBEDDING_DIM), dtype=jnp.float32)
    return {"input_indices": input_indices, "weight": weight}

def reference(input_indices, weight):
    # Equivalent of nn.Embedding forward: gather rows of the table
    return jnp.take(weight, input_indices, axis=0)

if __name__ == "__main__":
    import jax
    _d = setup_inputs()
    print(jax.jit(kernel)(*tuple(_d.values())))

</pallas_src>

<mosaic_0001>
#map = affine_map<(d0, d1) -> (0, 0)>
#map1 = affine_map<(d0, d1) -> (0)>
module attributes {stable_mosaic.version = 14 : i64} {
  func.func @gather_kernel(%arg0: i32, %arg1: i32, %arg2: memref<1024000x64xf32, #tpu.memory_space<hbm>>, %arg3: memref<425984xi32, #tpu.memory_space<hbm>>, %arg4: memref<425984x64xf32, #tpu.memory_space<hbm>>, %arg5: memref<832xi32, #tpu.memory_space<vmem>>, %arg6: memref<832xi32, #tpu.memory_space<vmem>>, %arg7: memref<832x64xf32, #tpu.memory_space<vmem>>, %arg8: memref<832x64xf32, #tpu.memory_space<vmem>>, %arg9: memref<!tpu.dma_semaphore, #tpu.memory_space<semaphore_mem>>, %arg10: memref<!tpu.dma_semaphore, #tpu.memory_space<semaphore_mem>>, %arg11: memref<!tpu.dma_semaphore, #tpu.memory_space<semaphore_mem>>, %arg12: memref<!tpu.dma_semaphore, #tpu.memory_space<semaphore_mem>>) attributes {dimension_semantics = [#tpu.dimension_semantics<core_parallel>, #tpu.dimension_semantics<subcore_parallel>], iteration_bounds = array<i64: 2, 16>, scalar_prefetch = 0 : i64, scratch_operands = 8 : i64, tpu.core_type = #tpu.core_type<sc_vector_subcore>, window_params = [{transform_indices = #map}, {transform_indices = #map1}, {transform_indices = #map}]} {
    %mul3A = arith.constant 2 : i32
    %mul3A_0 = arith.muli %arg1, %mul3A : i32
    %add3A = arith.addi %mul3A_0, %arg0 : i32
    %mul3A_1 = arith.constant 13312 : i32
    %mul3A_2 = arith.muli %add3A, %mul3A_1 : i32
    %add3A_3 = arith.constant 0 : i32
    %add3A_4 = arith.addi %mul3A_2, %add3A_3 : i32
    "tpu.region"() ({
      %run_scoped3A = tpu.sem_alloc : memref<!tpu.dma_semaphore, #tpu.memory_space<semaphore_mem>>
      %dma_start3A_384 = tpu.memref_slice %arg3[%add3A_4] : memref<425984xi32, #tpu.memory_space<hbm>> -> memref<832xi32, #tpu.memory_space<hbm>>
      %dma_start3A_385 = tpu.memref_slice %arg3[%add3A_4] : memref<425984xi32, #tpu.memory_space<hbm>> -> memref<832xi32, #tpu.memory_space<hbm>>
      tpu.enqueue_dma source(%dma_start3A_385 : memref<832xi32, #tpu.memory_space<hbm>>) target(%arg5 : memref<832xi32, #tpu.memory_space<vmem>>) target_semaphore(%run_scoped3A : memref<!tpu.dma_semaphore, #tpu.memory_space<semaphore_mem>>)
      %dma_wait3A_386 = tpu.memref_slice %arg3[%add3A_4] : memref<425984xi32, #tpu.memory_space<hbm>> -> memref<832xi32, #tpu.memory_space<hbm>>
      %dma_wait3A_387 = tpu.memref_slice %arg3[%add3A_4] : memref<425984xi32, #tpu.memory_space<hbm>> -> memref<832xi32, #tpu.memory_space<hbm>>
      tpu.wait_dma2 semaphore(%run_scoped3A : memref<!tpu.dma_semaphore, #tpu.memory_space<semaphore_mem>>) src(%dma_wait3A_387 : memref<832xi32, #tpu.memory_space<hbm>>) dst(%arg5 : memref<832xi32, #tpu.memory_space<vmem>>)
      tpu.yield
    }) : () -> ()
    %scan3A = arith.constant 0 : i32
    %scan3A_5 = arith.constant 0 : i32
    %scan3A_6 = arith.constant 52 : i32
    %scan3A_7 = arith.addi %scan3A_5, %scan3A_6 : i32
    %scan3A_8 = arith.constant 1 : i32
    scf.for %scan3A_384 = %scan3A_5 to %scan3A_7 step %scan3A_8  : i32 {
      %mul3A_385 = arith.constant 16 : i32
      %mul3A_386 = arith.muli %scan3A_384, %mul3A_385 : i32
      %get3A = arith.index_cast %mul3A_386 : i32 to index
      %get3A_387 = tpu.vector_load %arg5[%get3A] {strides = array<i32>} : memref<832xi32, #tpu.memory_space<vmem>>, vector<16xi32>,
      %get3A_388 = vector.shape_cast %get3A_387 : vector<16xi32> to vector<16xi32>
      %lt3A = arith.constant 512000 : i32
      %lt3A_389 = vector.broadcast %lt3A : i32 to vector<16xi32>
      %lt3A_390 = arith.cmpi slt, %get3A_388, %lt3A_389 : vector<16xi32>
      %add3A_391 = arith.addi %get3A_388, %get3A_388 : vector<16xi32>
      %add3A_392 = arith.addi %get3A_388, %get3A_388 : vector<16xi32>
      %sub3A = arith.constant 1023999 : i32
      %sub3A_393 = vector.broadcast %sub3A : i32 to vector<16xi32>
      %sub3A_394 = arith.subi %add3A_392, %sub3A_393 : vector<16xi32>
      %select_n3A = arith.select %lt3A_390, %add3A_391, %sub3A_394 : vector<16xi1>, vector<16xi32>
      %mul3A_395 = arith.constant 16 : i32
      %mul3A_396 = arith.muli %scan3A_384, %mul3A_395 : i32
      %swap3A = arith.index_cast %mul3A_396 : i32 to index
      %swap3A_397 = tpu.vector_load %arg5[%swap3A] {strides = array<i32>} : memref<832xi32, #tpu.memory_space<vmem>>, vector<16xi32>,
      %swap3A_398 = vector.shape_cast %swap3A_397 : vector<16xi32> to vector<16xi32>
      %swap3A_399 = vector.shape_cast %select_n3A : vector<16xi32> to vector<16xi32>
      tpu.vector_store %arg5[%swap3A], %swap3A_399 {strides = array<i32>} : memref<832xi32, #tpu.memory_space<vmem>>, vector<16xi32>,
    }
    %scan3A_9 = arith.constant 52 : i32
    %dma_start3A = arith.constant 0 : i32
    %dma_start3A_10 = arith.constant 0 : i32
    %dma_start3A_11 = tpu.memref_slice %arg2[%dma_start3A, %dma_start3A_10] : memref<1024000x64xf32, #tpu.memory_space<hbm>> -> memref<1024000x64xf32, #tpu.memory_space<hbm>>
    tpu.enqueue_indirect_dma source(%dma_start3A_11 : memref<1024000x64xf32, #tpu.memory_space<hbm>>) target(%arg7 : memref<832x64xf32, #tpu.memory_space<vmem>>) offsets(%arg5 : memref<832xi32, #tpu.memory_space<vmem>>) semaphore(%arg9 : memref<!tpu.dma_semaphore, #tpu.memory_space<semaphore_mem>>)
    %add3A_12 = arith.constant 832 : i32
    %add3A_13 = arith.addi %mul3A_2, %add3A_12 : i32
    "tpu.region"() ({
      %run_scoped3A = tpu.sem_alloc : memref<!tpu.dma_semaphore, #tpu.memory_space<semaphore_mem>>
      %dma_start3A_384 = tpu.memref_slice %arg3[%add3A_13] : memref<425984xi32, #tpu.memory_space<hbm>> -> memref<832xi32, #tpu.memory_space<hbm>>
      %dma_start3A_385 = tpu.memref_slice %arg3[%add3A_13] : memref<425984xi32, #tpu.memory_space<hbm>> -> memref<832xi32, #tpu.memory_space<hbm>>
      tpu.enqueue_dma source(%dma_start3A_385 : memref<832xi32, #tpu.memory_space<hbm>>) target(%arg6 : memref<832xi32, #tpu.memory_space<vmem>>) target_semaphore(%run_scoped3A : memref<!tpu.dma_semaphore, #tpu.memory_space<semaphore_mem>>)
      %dma_wait3A_386 = tpu.memref_slice %arg3[%add3A_13] : memref<425984xi32, #tpu.memory_space<hbm>> -> memref<832xi32, #tpu.memory_space<hbm>>
      %dma_wait3A_387 = tpu.memref_slice %arg3[%add3A_13] : memref<425984xi32, #tpu.memory_space<hbm>> -> memref<832xi32, #tpu.memory_space<hbm>>
      tpu.wait_dma2 semaphore(%run_scoped3A : memref<!tpu.dma_semaphore, #tpu.memory_space<semaphore_mem>>) src(%dma_wait3A_387 : memref<832xi32, #tpu.memory_space<hbm>>) dst(%arg6 : memref<832xi32, #tpu.memory_space<vmem>>)
      tpu.yield
    }) : () -> ()
    %scan3A_14 = arith.constant 0 : i32
    %scan3A_15 = arith.constant 0 : i32
    %scan3A_16 = arith.constant 52 : i32
    %scan3A_17 = arith.addi %scan3A_15, %scan3A_16 : i32
    %scan3A_18 = arith.constant 1 : i32
    scf.for %scan3A_384 = %scan3A_15 to %scan3A_17 step %scan3A_18  : i32 {
      %mul3A_385 = arith.constant 16 : i32
      %mul3A_386 = arith.muli %scan3A_384, %mul3A_385 : i32
      %get3A = arith.index_cast %mul3A_386 : i32 to index
      %get3A_387 = tpu.vector_load %arg6[%get3A] {strides = array<i32>} : memref<832xi32, #tpu.memory_space<vmem>>, vector<16xi32>,
      %get3A_388 = vector.shape_cast %get3A_387 : vector<16xi32> to vector<16xi32>
      %lt3A = arith.constant 512000 : i32
      %lt3A_389 = vector.broadcast %lt3A : i32 to vector<16xi32>
      %lt3A_390 = arith.cmpi slt, %get3A_388, %lt3A_389 : vector<16xi32>
      %add3A_391 = arith.addi %get3A_388, %get3A_388 : vector<16xi32>
      %add3A_392 = arith.addi %get3A_388, %get3A_388 : vector<16xi32>
      %sub3A = arith.constant 1023999 : i32
      %sub3A_393 = vector.broadcast %sub3A : i32 to vector<16xi32>
      %sub3A_394 = arith.subi %add3A_392, %sub3A_393 : vector<16xi32>
      %select_n3A = arith.select %lt3A_390, %add3A_391, %sub3A_394 : vector<16xi1>, vector<16xi32>
      %mul3A_395 = arith.constant 16 : i32
      %mul3A_396 = arith.muli %scan3A_384, %mul3A_395 : i32
      %swap3A = arith.index_cast %mul3A_396 : i32 to index
      %swap3A_397 = tpu.vector_load %arg6[%swap3A] {strides = array<i32>} : memref<832xi32, #tpu.memory_space<vmem>>, vector<16xi32>,
      %swap3A_398 = vector.shape_cast %swap3A_397 : vector<16xi32> to vector<16xi32>
      %swap3A_399 = vector.shape_cast %select_n3A : vector<16xi32> to vector<16xi32>
      tpu.vector_store %arg6[%swap3A], %swap3A_399 {strides = array<i32>} : memref<832xi32, #tpu.memory_space<vmem>>, vector<16xi32>,
    }
    %scan3A_19 = arith.constant 52 : i32
    %dma_start3A_20 = arith.constant 0 : i32
    %dma_start3A_21 = arith.constant 0 : i32
    %dma_start3A_22 = tpu.memref_slice %arg2[%dma_start3A_20, %dma_start3A_21] : memref<1024000x64xf32, #tpu.memory_space<hbm>> -> memref<1024000x64xf32, #tpu.memory_space<hbm>>
    tpu.enqueue_indirect_dma source(%dma_start3A_22 : memref<1024000x64xf32, #tpu.memory_space<hbm>>) target(%arg8 : memref<832x64xf32, #tpu.memory_space<vmem>>) offsets(%arg6 : memref<832xi32, #tpu.memory_space<vmem>>) semaphore(%arg10 : memref<!tpu.dma_semaphore, #tpu.memory_space<semaphore_mem>>)
    %add3A_23 = arith.constant 0 : i32
    %add3A_24 = arith.addi %mul3A_2, %add3A_23 : i32
    %dma_wait3A = arith.constant 0 : i32
    %dma_wait3A_25 = arith.constant 0 : i32
    %dma_wait3A_26 = tpu.memref_slice %arg2[%dma_wait3A, %dma_wait3A_25] : memref<1024000x64xf32, #tpu.memory_space<hbm>> -> memref<1024000x64xf32, #tpu.memory_space<hbm>>
    tpu.wait_indirect_dma semaphore(%arg9 : memref<!tpu.dma_semaphore, #tpu.memory_space<semaphore_mem>>) src(%dma_wait3A_26 : memref<1024000x64xf32, #tpu.memory_space<hbm>>) dst(%arg7 : memref<832x64xf32, #tpu.memory_space<vmem>>)
    %dma_start3A_27 = arith.constant 0 : i32
    %dma_start3A_28 = tpu.memref_slice %arg4[%add3A_24, %dma_start3A_27] : memref<425984x64xf32, #tpu.memory_space<hbm>> -> memref<832x64xf32, #tpu.memory_space<hbm>>
    %dma_start3A_29 = arith.constant 0 : i32
    %dma_start3A_30 = tpu.memref_slice %arg4[%add3A_24, %dma_start3A_29] : memref<425984x64xf32, #tpu.memory_space<hbm>> -> memref<832x64xf32, #tpu.memory_space<hbm>>
    tpu.enqueue_dma source(%arg7 : memref<832x64xf32, #tpu.memory_space<vmem>>) target(%dma_start3A_30 : memref<832x64xf32, #tpu.memory_space<hbm>>) target_semaphore(%arg11 : memref<!tpu.dma_semaphore, #tpu.memory_space<semaphore_mem>>)
    %add3A_31 = arith.constant 1664 : i32
    %add3A_32 = arith.addi %mul3A_2, %add3A_31 : i32
    %dma_wait3A_33 = arith.constant 0 : i32
    %dma_wait3A_34 = tpu.memref_slice %arg4[%add3A_24, %dma_wait3A_33] : memref<425984x64xf32, #tpu.memory_space<hbm>> -> memref<832x64xf32, #tpu.memory_space<hbm>>
    %dma_wait3A_35 = arith.constant 0 : i32
    %dma_wait3A_36 = tpu.memref_slice %arg4[%add3A_24, %dma_wait3A_35] : memref<425984x64xf32, #tpu.memory_space<hbm>> -> memref<832x64xf32, #tpu.memory_space<hbm>>
    tpu.wait_dma2 semaphore(%arg11 : memref<!tpu.dma_semaphore, #tpu.memory_space<semaphore_mem>>) src(%arg7 : memref<832x64xf32, #tpu.memory_space<vmem>>) dst(%dma_wait3A_36 : memref<832x64xf32, #tpu.memory_space<hbm>>)
    "tpu.region"() ({
      %run_scoped3A = tpu.sem_alloc : memref<!tpu.dma_semaphore, #tpu.memory_space<semaphore_mem>>
      %dma_start3A_384 = tpu.memref_slice %arg3[%add3A_32] : memref<425984xi32, #tpu.memory_space<hbm>> -> memref<832xi32, #tpu.memory_space<hbm>>
      %dma_start3A_385 = tpu.memref_slice %arg3[%add3A_32] : memref<425984xi32, #tpu.memory_space<hbm>> -> memref<832xi32, #tpu.memory_space<hbm>>
      tpu.enqueue_dma source(%dma_start3A_385 : memref<832xi32, #tpu.memory_space<hbm>>) target(%arg5 : memref<832xi32, #tpu.memory_space<vmem>>) target_semaphore(%run_scoped3A : memref<!tpu.dma_semaphore, #tpu.memory_space<semaphore_mem>>)
      %dma_wait3A_386 = tpu.memref_slice %arg3[%add3A_32] : memref<425984xi32, #tpu.memory_space<hbm>> -> memref<832xi32, #tpu.memory_space<hbm>>
      %dma_wait3A_387 = tpu.memref_slice %arg3[%add3A_32] : memref<425984xi32, #tpu.memory_space<hbm>> -> memref<832xi32, #tpu.memory_space<hbm>>
      tpu.wait_dma2 semaphore(%run_scoped3A : memref<!tpu.dma_semaphore, #tpu.memory_space<semaphore_mem>>) src(%dma_wait3A_387 : memref<832xi32, #tpu.memory_space<hbm>>) dst(%arg5 : memref<832xi32, #tpu.memory_space<vmem>>)
      tpu.yield
    }) : () -> ()
    %scan3A_37 = arith.constant 0 : i32
    %scan3A_38 = arith.constant 0 : i32
    %scan3A_39 = arith.constant 52 : i32
    %scan3A_40 = arith.addi %scan3A_38, %scan3A_39 : i32
    %scan3A_41 = arith.constant 1 : i32
    scf.for %scan3A_384 = %scan3A_38 to %scan3A_40 step %scan3A_41  : i32 {
      %mul3A_385 = arith.constant 16 : i32
      %mul3A_386 = arith.muli %scan3A_384, %mul3A_385 : i32
      %get3A = arith.index_cast %mul3A_386 : i32 to index
      %get3A_387 = tpu.vector_load %arg5[%get3A] {strides = array<i32>} : memref<832xi32, #tpu.memory_space<vmem>>, vector<16xi32>,
      %get3A_388 = vector.shape_cast %get3A_387 : vector<16xi32> to vector<16xi32>
      %lt3A = arith.constant 512000 : i32
      %lt3A_389 = vector.broadcast %lt3A : i32 to vector<16xi32>
      %lt3A_390 = arith.cmpi slt, %get3A_388, %lt3A_389 : vector<16xi32>
      %add3A_391 = arith.addi %get3A_388, %get3A_388 : vector<16xi32>
      %add3A_392 = arith.addi %get3A_388, %get3A_388 : vector<16xi32>
      %sub3A = arith.constant 1023999 : i32
      %sub3A_393 = vector.broadcast %sub3A : i32 to vector<16xi32>
      %sub3A_394 = arith.subi %add3A_392, %sub3A_393 : vector<16xi32>
      %select_n3A = arith.select %lt3A_390, %add3A_391, %sub3A_394 : vector<16xi1>, vector<16xi32>
      %mul3A_395 = arith.constant 16 : i32
      %mul3A_396 = arith.muli %scan3A_384, %mul3A_395 : i32
      %swap3A = arith.index_cast %mul3A_396 : i32 to index
      %swap3A_397 = tpu.vector_load %arg5[%swap3A] {strides = array<i32>} : memref<832xi32, #tpu.memory_space<vmem>>, vector<16xi32>,
      %swap3A_398 = vector.shape_cast %swap3A_397 : vector<16xi32> to vector<16xi32>
      %swap3A_399 = vector.shape_cast %select_n3A : vector<16xi32> to vector<16xi32>
      tpu.vector_store %arg5[%swap3A], %swap3A_399 {strides = array<i32>} : memref<832xi32, #tpu.memory_space<vmem>>, vector<16xi32>,
    }
    %scan3A_42 = arith.constant 52 : i32
    %dma_start3A_43 = arith.constant 0 : i32
    %dma_start3A_44 = arith.constant 0 : i32
    %dma_start3A_45 = tpu.memref_slice %arg2[%dma_start3A_43, %dma_start3A_44] : memref<1024000x64xf32, #tpu.memory_space<hbm>> -> memref<1024000x64xf32, #tpu.memory_space<hbm>>
    tpu.enqueue_indirect_dma source(%dma_start3A_45 : memref<1024000x64xf32, #tpu.memory_space<hbm>>) target(%arg7 : memref<832x64xf32, #tpu.memory_space<vmem>>) offsets(%arg5 : memref<832xi32, #tpu.memory_space<vmem>>) semaphore(%arg9 : memref<!tpu.dma_semaphore, #tpu.memory_space<semaphore_mem>>)
    %add3A_46 = arith.constant 832 : i32
    %add3A_47 = arith.addi %mul3A_2, %add3A_46 : i32
    %dma_wait3A_48 = arith.constant 0 : i32
    %dma_wait3A_49 = arith.constant 0 : i32
    %dma_wait3A_50 = tpu.memref_slice %arg2[%dma_wait3A_48, %dma_wait3A_49] : memref<1024000x64xf32, #tpu.memory_space<hbm>> -> memref<1024000x64xf32, #tpu.memory_space<hbm>>
    tpu.wait_indirect_dma semaphore(%arg10 : memref<!tpu.dma_semaphore, #tpu.memory_space<semaphore_mem>>) src(%dma_wait3A_50 : memref<1024000x64xf32, #tpu.memory_space<hbm>>) dst(%arg8 : memref<832x64xf32, #tpu.memory_space<vmem>>)
    %dma_start3A_51 = arith.constant 0 : i32
    %dma_start3A_52 = tpu.memref_slice %arg4[%add3A_47, %dma_start3A_51] : memref<425984x64xf32, #tpu.memory_space<hbm>> -> memref<832x64xf32, #tpu.memory_space<hbm>>
    %dma_start3A_53 = arith.constant 0 : i32
    %dma_start3A_54 = tpu.memref_slice %arg4[%add3A_47, %dma_start3A_53] : memref<425984x64xf32, #tpu.memory_space<hbm>> -> memref<832x64xf32, #tpu.memory_space<hbm>>
    tpu.enqueue_dma source(%arg8 : memref<832x64xf32, #tpu.memory_space<vmem>>) target(%dma_start3A_54 : memref<832x64xf32, #tpu.memory_space<hbm>>) target_semaphore(%arg12 : memref<!tpu.dma_semaphore, #tpu.memory_space<semaphore_mem>>)
    %add3A_55 = arith.constant 2496 : i32
    %add3A_56 = arith.addi %mul3A_2, %add3A_55 : i32
    %dma_wait3A_57 = arith.constant 0 : i32
    %dma_wait3A_58 = tpu.memref_slice %arg4[%add3A_47, %dma_wait3A_57] : memref<425984x64xf32, #tpu.memory_space<hbm>> -> memref<832x64xf32, #tpu.memory_space<hbm>>
    %dma_wait3A_59 = arith.constant 0 : i32
    %dma_wait3A_60 = tpu.memref_slice %arg4[%add3A_47, %dma_wait3A_59] : memref<425984x64xf32, #tpu.memory_space<hbm>> -> memref<832x64xf32, #tpu.memory_space<hbm>>
    tpu.wait_dma2 semaphore(%arg12 : memref<!tpu.dma_semaphore, #tpu.memory_space<semaphore_mem>>) src(%arg8 : memref<832x64xf32, #tpu.memory_space<vmem>>) dst(%dma_wait3A_60 : memref<832x64xf32, #tpu.memory_space<hbm>>)
    "tpu.region"() ({
      %run_scoped3A = tpu.sem_alloc : memref<!tpu.dma_semaphore, #tpu.memory_space<semaphore_mem>>
      %dma_start3A_384 = tpu.memref_slice %arg3[%add3A_56] : memref<425984xi32, #tpu.memory_space<hbm>> -> memref<832xi32, #tpu.memory_space<hbm>>
      %dma_start3A_385 = tpu.memref_slice %arg3[%add3A_56] : memref<425984xi32, #tpu.memory_space<hbm>> -> memref<832xi32, #tpu.memory_space<hbm>>
      tpu.enqueue_dma source(%dma_start3A_385 : memref<832xi32, #tpu.memory_space<hbm>>) target(%arg6 : memref<832xi32, #tpu.memory_space<vmem>>) target_semaphore(%run_scoped3A : memref<!tpu.dma_semaphore, #tpu.memory_space<semaphore_mem>>)
      %dma_wait3A_386 = tpu.memref_slice %arg3[%add3A_56] : memref<425984xi32, #tpu.memory_space<hbm>> -> memref<832xi32, #tpu.memory_space<hbm>>
      %dma_wait3A_387 = tpu.memref_slice %arg3[%add3A_56] : memref<425984xi32, #tpu.memory_space<hbm>> -> memref<832xi32, #tpu.memory_space<hbm>>
      tpu.wait_dma2 semaphore(%run_scoped3A : memref<!tpu.dma_semaphore, #tpu.memory_space<semaphore_mem>>) src(%dma_wait3A_387 : memref<832xi32, #tpu.memory_space<hbm>>) dst(%arg6 : memref<832xi32, #tpu.memory_space<vmem>>)
      tpu.yield
    }) : () -> ()
    %scan3A_61 = arith.constant 0 : i32
    %scan3A_62 = arith.constant 0 : i32
    %scan3A_63 = arith.constant 52 : i32
    %scan3A_64 = arith.addi %scan3A_62, %scan3A_63 : i32
    %scan3A_65 = arith.constant 1 : i32
    scf.for %scan3A_384 = %scan3A_62 to %scan3A_64 step %scan3A_65  : i32 {
      %mul3A_385 = arith.constant 16 : i32
      %mul3A_386 = arith.muli %scan3A_384, %mul3A_385 : i32
      %get3A = arith.index_cast %mul3A_386 : i32 to index
      %get3A_387 = tpu.vector_load %arg6[%get3A] {strides = array<i32>} : memref<832xi32, #tpu.memory_space<vmem>>, vector<16xi32>,
      %get3A_388 = vector.shape_cast %get3A_387 : vector<16xi32> to vector<16xi32>
      %lt3A = arith.constant 512000 : i32
      %lt3A_389 = vector.broadcast %lt3A : i32 to vector<16xi32>
      %lt3A_390 = arith.cmpi slt, %get3A_388, %lt3A_389 : vector<16xi32>
      %add3A_391 = arith.addi %get3A_388, %get3A_388 : vector<16xi32>
      %add3A_392 = arith.addi %get3A_388, %get3A_388 : vector<16xi32>
      %sub3A = arith.constant 1023999 : i32
      %sub3A_393 = vector.broadcast %sub3A : i32 to vector<16xi32>
      %sub3A_394 = arith.subi %add3A_392, %sub3A_393 : vector<16xi32>
      %select_n3A = arith.select %lt3A_390, %add3A_391, %sub3A_394 : vector<16xi1>, vector<16xi32>
      %mul3A_395 = arith.constant 16 : i32
      %mul3A_396 = arith.muli %scan3A_384, %mul3A_395 : i32
      %swap3A = arith.index_cast %mul3A_396 : i32 to index
      %swap3A_397 = tpu.vector_load %arg6[%swap3A] {strides = array<i32>} : memref<832xi32, #tpu.memory_space<vmem>>, vector<16xi32>,
      %swap3A_398 = vector.shape_cast %swap3A_397 : vector<16xi32> to vector<16xi32>
      %swap3A_399 = vector.shape_cast %select_n3A : vector<16xi32> to vector<16xi32>
      tpu.vector_store %arg6[%swap3A], %swap3A_399 {strides = array<i32>} : memref<832xi32, #tpu.memory_space<vmem>>, vector<16xi32>,
    }
    %scan3A_66 = arith.constant 52 : i32
    %dma_start3A_67 = arith.constant 0 : i32
    %dma_start3A_68 = arith.constant 0 : i32
    %dma_start3A_69 = tpu.memref_slice %arg2[%dma_start3A_67, %dma_start3A_68] : memref<1024000x64xf32, #tpu.memory_space<hbm>> -> memref<1024000x64xf32, #tpu.memory_space<hbm>>
    tpu.enqueue_indirect_dma source(%dma_start3A_69 : memref<1024000x64xf32, #tpu.memory_space<hbm>>) target(%arg8 : memref<832x64xf32, #tpu.memory_space<vmem>>) offsets(%arg6 : memref<832xi32, #tpu.memory_space<vmem>>) semaphore(%arg10 : memref<!tpu.dma_semaphore, #tpu.memory_space<semaphore_mem>>)
    %add3A_70 = arith.constant 1664 : i32
    %add3A_71 = arith.addi %mul3A_2, %add3A_70 : i32
    %dma_wait3A_72 = arith.constant 0 : i32
    %dma_wait3A_73 = arith.constant 0 : i32
    %dma_wait3A_74 = tpu.memref_slice %arg2[%dma_wait3A_72, %dma_wait3A_73] : memref<1024000x64xf32, #tpu.memory_space<hbm>> -> memref<1024000x64xf32, #tpu.memory_space<hbm>>
    tpu.wait_indirect_dma semaphore(%arg9 : memref<!tpu.dma_semaphore, #tpu.memory_space<semaphore_mem>>) src(%dma_wait3A_74 : memref<1024000x64xf32, #tpu.memory_space<hbm>>) dst(%arg7 : memref<832x64xf32, #tpu.memory_space<vmem>>)
    %dma_start3A_75 = arith.constant 0 : i32
    %dma_start3A_76 = tpu.memref_slice %arg4[%add3A_71, %dma_start3A_75] : memref<425984x64xf32, #tpu.memory_space<hbm>> -> memref<832x64xf32, #tpu.memory_space<hbm>>
    %dma_start3A_77 = arith.constant 0 : i32
    %dma_start3A_78 = tpu.memref_slice %arg4[%add3A_71, %dma_start3A_77] : memref<425984x64xf32, #tpu.memory_space<hbm>> -> memref<832x64xf32, #tpu.memory_space<hbm>>
    tpu.enqueue_dma source(%arg7 : memref<832x64xf32, #tpu.memory_space<vmem>>) target(%dma_start3A_78 : memref<832x64xf32, #tpu.memory_space<hbm>>) target_semaphore(%arg11 : memref<!tpu.dma_semaphore, #tpu.memory_space<semaphore_mem>>)
    %add3A_79 = arith.constant 3328 : i32
    %add3A_80 = arith.addi %mul3A_2, %add3A_79 : i32
    %dma_wait3A_81 = arith.constant 0 : i32
    %dma_wait3A_82 = tpu.memref_slice %arg4[%add3A_71, %dma_wait3A_81] : memref<425984x64xf32, #tpu.memory_space<hbm>> -> memref<832x64xf32, #tpu.memory_space<hbm>>
    %dma_wait3A_83 = arith.constant 0 : i32
    %dma_wait3A_84 = tpu.memref_slice %arg4[%add3A_71, %dma_wait3A_83] : memref<425984x64xf32, #tpu.memory_space<hbm>> -> memref<832x64xf32, #tpu.memory_space<hbm>>
    tpu.wait_dma2 semaphore(%arg11 : memref<!tpu.dma_semaphore, #tpu.memory_space<semaphore_mem>>) src(%arg7 : memref<832x64xf32, #tpu.memory_space<vmem>>) dst(%dma_wait3A_84 : memref<832x64xf32, #tpu.memory_space<hbm>>)
    "tpu.region"() ({
      %run_scoped3A = tpu.sem_alloc : memref<!tpu.dma_semaphore, #tpu.memory_space<semaphore_mem>>
      %dma_start3A_384 = tpu.memref_slice %arg3[%add3A_80] : memref<425984xi32, #tpu.memory_space<hbm>> -> memref<832xi32, #tpu.memory_space<hbm>>
      %dma_start3A_385 = tpu.memref_slice %arg3[%add3A_80] : memref<425984xi32, #tpu.memory_space<hbm>> -> memref<832xi32, #tpu.memory_space<hbm>>
      tpu.enqueue_dma source(%dma_start3A_385 : memref<832xi32, #tpu.memory_space<hbm>>) target(%arg5 : memref<832xi32, #tpu.memory_space<vmem>>) target_semaphore(%run_scoped3A : memref<!tpu.dma_semaphore, #tpu.memory_space<semaphore_mem>>)
      %dma_wait3A_386 = tpu.memref_slice %arg3[%add3A_80] : memref<425984xi32, #tpu.memory_space<hbm>> -> memref<832xi32, #tpu.memory_space<hbm>>
      %dma_wait3A_387 = tpu.memref_slice %arg3[%add3A_80] : memref<425984xi32, #tpu.memory_space<hbm>> -> memref<832xi32, #tpu.memory_space<hbm>>
      tpu.wait_dma2 semaphore(%run_scoped3A : memref<!tpu.dma_semaphore, #tpu.memory_space<semaphore_mem>>) src(%dma_wait3A_387 : memref<832xi32, #tpu.memory_space<hbm>>) dst(%arg5 : memref<832xi32, #tpu.memory_space<vmem>>)
      tpu.yield
    }) : () -> ()
    %scan3A_85 = arith.constant 0 : i32
    %scan3A_86 = arith.constant 0 : i32
    %scan3A_87 = arith.constant 52 : i32
    %scan3A_88 = arith.addi %scan3A_86, %scan3A_87 : i32
    %scan3A_89 = arith.constant 1 : i32
    scf.for %scan3A_384 = %scan3A_86 to %scan3A_88 step %scan3A_89  : i32 {
      %mul3A_385 = arith.constant 16 : i32
      %mul3A_386 = arith.muli %scan3A_384, %mul3A_385 : i32
      %get3A = arith.index_cast %mul3A_386 : i32 to index
      %get3A_387 = tpu.vector_load %arg5[%get3A] {strides = array<i32>} : memref<832xi32, #tpu.memory_space<vmem>>, vector<16xi32>,
      %get3A_388 = vector.shape_cast %get3A_387 : vector<16xi32> to vector<16xi32>
      %lt3A = arith.constant 512000 : i32
      %lt3A_389 = vector.broadcast %lt3A : i32 to vector<16xi32>
      %lt3A_390 = arith.cmpi slt, %get3A_388, %lt3A_389 : vector<16xi32>
      %add3A_391 = arith.addi %get3A_388, %get3A_388 : vector<16xi32>
      %add3A_392 = arith.addi %get3A_388, %get3A_388 : vector<16xi32>
      %sub3A = arith.constant 1023999 : i32
      %sub3A_393 = vector.broadcast %sub3A : i32 to vector<16xi32>
      %sub3A_394 = arith.subi %add3A_392, %sub3A_393 : vector<16xi32>
      %select_n3A = arith.select %lt3A_390, %add3A_391, %sub3A_394 : vector<16xi1>, vector<16xi32>
      %mul3A_395 = arith.constant 16 : i32
      %mul3A_396 = arith.muli %scan3A_384, %mul3A_395 : i32
      %swap3A = arith.index_cast %mul3A_396 : i32 to index
      %swap3A_397 = tpu.vector_load %arg5[%swap3A] {strides = array<i32>} : memref<832xi32, #tpu.memory_space<vmem>>, vector<16xi32>,
      %swap3A_398 = vector.shape_cast %swap3A_397 : vector<16xi32> to vector<16xi32>
      %swap3A_399 = vector.shape_cast %select_n3A : vector<16xi32> to vector<16xi32>
      tpu.vector_store %arg5[%swap3A], %swap3A_399 {strides = array<i32>} : memref<832xi32, #tpu.memory_space<vmem>>, vector<16xi32>,
    }
    %scan3A_90 = arith.constant 52 : i32
    %dma_start3A_91 = arith.constant 0 : i32
    %dma_start3A_92 = arith.constant 0 : i32
    %dma_start3A_93 = tpu.memref_slice %arg2[%dma_start3A_91, %dma_start3A_92] : memref<1024000x64xf32, #tpu.memory_space<hbm>> -> memref<1024000x64xf32, #tpu.memory_space<hbm>>
    tpu.enqueue_indirect_dma source(%dma_start3A_93 : memref<1024000x64xf32, #tpu.memory_space<hbm>>) target(%arg7 : memref<832x64xf32, #tpu.memory_space<vmem>>) offsets(%arg5 : memref<832xi32, #tpu.memory_space<vmem>>) semaphore(%arg9 : memref<!tpu.dma_semaphore, #tpu.memory_space<semaphore_mem>>)
    %add3A_94 = arith.constant 2496 : i32
    %add3A_95 = arith.addi %mul3A_2, %add3A_94 : i32
    %dma_wait3A_96 = arith.constant 0 : i32
    %dma_wait3A_97 = arith.constant 0 : i32
    %dma_wait3A_98 = tpu.memref_slice %arg2[%dma_wait3A_96, %dma_wait3A_97] : memref<1024000x64xf32, #tpu.memory_space<hbm>> -> memref<1024000x64xf32, #tpu.memory_space<hbm>>
    tpu.wait_indirect_dma semaphore(%arg10 : memref<!tpu.dma_semaphore, #tpu.memory_space<semaphore_mem>>) src(%dma_wait3A_98 : memref<1024000x64xf32, #tpu.memory_space<hbm>>) dst(%arg8 : memref<832x64xf32, #tpu.memory_space<vmem>>)
    %dma_start3A_99 = arith.constant 0 : i32
    %dma_start3A_100 = tpu.memref_slice %arg4[%add3A_95, %dma_start3A_99] : memref<425984x64xf32, #tpu.memory_space<hbm>> -> memref<832x64xf32, #tpu.memory_space<hbm>>
    %dma_start3A_101 = arith.constant 0 : i32
    %dma_start3A_102 = tpu.memref_slice %arg4[%add3A_95, %dma_start3A_101] : memref<425984x64xf32, #tpu.memory_space<hbm>> -> memref<832x64xf32, #tpu.memory_space<hbm>>
    tpu.enqueue_dma source(%arg8 : memref<832x64xf32, #tpu.memory_space<vmem>>) target(%dma_start3A_102 : memref<832x64xf32, #tpu.memory_space<hbm>>) target_semaphore(%arg12 : memref<!tpu.dma_semaphore, #tpu.memory_space<semaphore_mem>>)
    %add3A_103 = arith.constant 4160 : i32
    %add3A_104 = arith.addi %mul3A_2, %add3A_103 : i32
    %dma_wait3A_105 = arith.constant 0 : i32
    %dma_wait3A_106 = tpu.memref_slice %arg4[%add3A_95, %dma_wait3A_105] : memref<425984x64xf32, #tpu.memory_space<hbm>> -> memref<832x64xf32, #tpu.memory_space<hbm>>
    %dma_wait3A_107 = arith.constant 0 : i32
    %dma_wait3A_108 = tpu.memref_slice %arg4[%add3A_95, %dma_wait3A_107] : memref<425984x64xf32, #tpu.memory_space<hbm>> -> memref<832x64xf32, #tpu.memory_space<hbm>>
    tpu.wait_dma2 semaphore(%arg12 : memref<!tpu.dma_semaphore, #tpu.memory_space<semaphore_mem>>) src(%arg8 : memref<832x64xf32, #tpu.memory_space<vmem>>) dst(%dma_wait3A_108 : memref<832x64xf32, #tpu.memory_space<hbm>>)
    "tpu.region"() ({
      %run_scoped3A = tpu.sem_alloc : memref<!tpu.dma_semaphore, #tpu.memory_space<semaphore_mem>>
      %dma_start3A_384 = tpu.memref_slice %arg3[%add3A_104] : memref<425984xi32, #tpu.memory_space<hbm>> -> memref<832xi32, #tpu.memory_space<hbm>>
      %dma_start3A_385 = tpu.memref_slice %arg3[%add3A_104] : memref<425984xi32, #tpu.memory_space<hbm>> -> memref<832xi32, #tpu.memory_space<hbm>>
      tpu.enqueue_dma source(%dma_start3A_385 : memref<832xi32, #tpu.memory_space<hbm>>) target(%arg6 : memref<832xi32, #tpu.memory_space<vmem>>) target_semaphore(%run_scoped3A : memref<!tpu.dma_semaphore, #tpu.memory_space<semaphore_mem>>)
      %dma_wait3A_386 = tpu.memref_slice %arg3[%add3A_104] : memref<425984xi32, #tpu.memory_space<hbm>> -> memref<832xi32, #tpu.memory_space<hbm>>
      %dma_wait3A_387 = tpu.memref_slice %arg3[%add3A_104] : memref<425984xi32, #tpu.memory_space<hbm>> -> memref<832xi32, #tpu.memory_space<hbm>>
      tpu.wait_dma2 semaphore(%run_scoped3A : memref<!tpu.dma_semaphore, #tpu.memory_space<semaphore_mem>>) src(%dma_wait3A_387 : memref<832xi32, #tpu.memory_space<hbm>>) dst(%arg6 : memref<832xi32, #tpu.memory_space<vmem>>)
      tpu.yield
    }) : () -> ()
    %scan3A_109 = arith.constant 0 : i32
    %scan3A_110 = arith.constant 0 : i32
    %scan3A_111 = arith.constant 52 : i32
    %scan3A_112 = arith.addi %scan3A_110, %scan3A_111 : i32
    %scan3A_113 = arith.constant 1 : i32
    scf.for %scan3A_384 = %scan3A_110 to %scan3A_112 step %scan3A_113  : i32 {
      %mul3A_385 = arith.constant 16 : i32
      %mul3A_386 = arith.muli %scan3A_384, %mul3A_385 : i32
      %get3A = arith.index_cast %mul3A_386 : i32 to index
      %get3A_387 = tpu.vector_load %arg6[%get3A] {strides = array<i32>} : memref<832xi32, #tpu.memory_space<vmem>>, vector<16xi32>,
      %get3A_388 = vector.shape_cast %get3A_387 : vector<16xi32> to vector<16xi32>
      %lt3A = arith.constant 512000 : i32
      %lt3A_389 = vector.broadcast %lt3A : i32 to vector<16xi32>
      %lt3A_390 = arith.cmpi slt, %get3A_388, %lt3A_389 : vector<16xi32>
      %add3A_391 = arith.addi %get3A_388, %get3A_388 : vector<16xi32>
      %add3A_392 = arith.addi %get3A_388, %get3A_388 : vector<16xi32>
      %sub3A = arith.constant 1023999 : i32
      %sub3A_393 = vector.broadcast %sub3A : i32 to vector<16xi32>
      %sub3A_394 = arith.subi %add3A_392, %sub3A_393 : vector<16xi32>
      %select_n3A = arith.select %lt3A_390, %add3A_391, %sub3A_394 : vector<16xi1>, vector<16xi32>
      %mul3A_395 = arith.constant 16 : i32
      %mul3A_396 = arith.muli %scan3A_384, %mul3A_395 : i32
      %swap3A = arith.index_cast %mul3A_396 : i32 to index
      %swap3A_397 = tpu.vector_load %arg6[%swap3A] {strides = array<i32>} : memref<832xi32, #tpu.memory_space<vmem>>, vector<16xi32>,
      %swap3A_398 = vector.shape_cast %swap3A_397 : vector<16xi32> to vector<16xi32>
      %swap3A_399 = vector.shape_cast %select_n3A : vector<16xi32> to vector<16xi32>
      tpu.vector_store %arg6[%swap3A], %swap3A_399 {strides = array<i32>} : memref<832xi32, #tpu.memory_space<vmem>>, vector<16xi32>,
    }
    %scan3A_114 = arith.constant 52 : i32
    %dma_start3A_115 = arith.constant 0 : i32
    %dma_start3A_116 = arith.constant 0 : i32
    %dma_start3A_117 = tpu.memref_slice %arg2[%dma_start3A_115, %dma_start3A_116] : memref<1024000x64xf32, #tpu.memory_space<hbm>> -> memref<1024000x64xf32, #tpu.memory_space<hbm>>
    tpu.enqueue_indirect_dma source(%dma_start3A_117 : memref<1024000x64xf32, #tpu.memory_space<hbm>>) target(%arg8 : memref<832x64xf32, #tpu.memory_space<vmem>>) offsets(%arg6 : memref<832xi32, #tpu.memory_space<vmem>>) semaphore(%arg10 : memref<!tpu.dma_semaphore, #tpu.memory_space<semaphore_mem>>)
    %add3A_118 = arith.constant 3328 : i32
    %add3A_119 = arith.addi %mul3A_2, %add3A_118 : i32
    %dma_wait3A_120 = arith.constant 0 : i32
    %dma_wait3A_121 = arith.constant 0 : i32
    %dma_wait3A_122 = tpu.memref_slice %arg2[%dma_wait3A_120, %dma_wait3A_121] : memref<1024000x64xf32, #tpu.memory_space<hbm>> -> memref<1024000x64xf32, #tpu.memory_space<hbm>>
    tpu.wait_indirect_dma semaphore(%arg9 : memref<!tpu.dma_semaphore, #tpu.memory_space<semaphore_mem>>) src(%dma_wait3A_122 : memref<1024000x64xf32, #tpu.memory_space<hbm>>) dst(%arg7 : memref<832x64xf32, #tpu.memory_space<vmem>>)
    %dma_start3A_123 = arith.constant 0 : i32
    %dma_start3A_124 = tpu.memref_slice %arg4[%add3A_119, %dma_start3A_123] : memref<425984x64xf32, #tpu.memory_space<hbm>> -> memref<832x64xf32, #tpu.memory_space<hbm>>
    %dma_start3A_125 = arith.constant 0 : i32
    %dma_start3A_126 = tpu.memref_slice %arg4[%add3A_119, %dma_start3A_125] : memref<425984x64xf32, #tpu.memory_space<hbm>> -> memref<832x64xf32, #tpu.memory_space<hbm>>
    tpu.enqueue_dma source(%arg7 : memref<832x64xf32, #tpu.memory_space<vmem>>) target(%dma_start3A_126 : memref<832x64xf32, #tpu.memory_space<hbm>>) target_semaphore(%arg11 : memref<!tpu.dma_semaphore, #tpu.memory_space<semaphore_mem>>)
    %add3A_127 = arith.constant 4992 : i32
    %add3A_128 = arith.addi %mul3A_2, %add3A_127 : i32
    %dma_wait3A_129 = arith.constant 0 : i32
    %dma_wait3A_130 = tpu.memref_slice %arg4[%add3A_119, %dma_wait3A_129] : memref<425984x64xf32, #tpu.memory_space<hbm>> -> memref<832x64xf32, #tpu.memory_space<hbm>>
    %dma_wait3A_131 = arith.constant 0 : i32
    %dma_wait3A_132 = tpu.memref_slice %arg4[%add3A_119, %dma_wait3A_131] : memref<425984x64xf32, #tpu.memory_space<hbm>> -> memref<832x64xf32, #tpu.memory_space<hbm>>
    tpu.wait_dma2 semaphore(%arg11 : memref<!tpu.dma_semaphore, #tpu.memory_space<semaphore_mem>>) src(%arg7 : memref<832x64xf32, #tpu.memory_space<vmem>>) dst(%dma_wait3A_132 : memref<832x64xf32, #tpu.memory_space<hbm>>)
    "tpu.region"() ({
      %run_scoped3A = tpu.sem_alloc : memref<!tpu.dma_semaphore, #tpu.memory_space<semaphore_mem>>
      %dma_start3A_384 = tpu.memref_slice %arg3[%add3A_128] : memref<425984xi32, #tpu.memory_space<hbm>> -> memref<832xi32, #tpu.memory_space<hbm>>
      %dma_start3A_385 = tpu.memref_slice %arg3[%add3A_128] : memref<425984xi32, #tpu.memory_space<hbm>> -> memref<832xi32, #tpu.memory_space<hbm>>
      tpu.enqueue_dma source(%dma_start3A_385 : memref<832xi32, #tpu.memory_space<hbm>>) target(%arg5 : memref<832xi32, #tpu.memory_space<vmem>>) target_semaphore(%run_scoped3A : memref<!tpu.dma_semaphore, #tpu.memory_space<semaphore_mem>>)
      %dma_wait3A_386 = tpu.memref_slice %arg3[%add3A_128] : memref<425984xi32, #tpu.memory_space<hbm>> -> memref<832xi32, #tpu.memory_space<hbm>>
      %dma_wait3A_387 = tpu.memref_slice %arg3[%add3A_128] : memref<425984xi32, #tpu.memory_space<hbm>> -> memref<832xi32, #tpu.memory_space<hbm>>
      tpu.wait_dma2 semaphore(%run_scoped3A : memref<!tpu.dma_semaphore, #tpu.memory_space<semaphore_mem>>) src(%dma_wait3A_387 : memref<832xi32, #tpu.memory_space<hbm>>) dst(%arg5 : memref<832xi32, #tpu.memory_space<vmem>>)
      tpu.yield
    }) : () -> ()
    %scan3A_133 = arith.constant 0 : i32
    %scan3A_134 = arith.constant 0 : i32
    %scan3A_135 = arith.constant 52 : i32
    %scan3A_136 = arith.addi %scan3A_134, %scan3A_135 : i32
    %scan3A_137 = arith.constant 1 : i32
    scf.for %scan3A_384 = %scan3A_134 to %scan3A_136 step %scan3A_137  : i32 {
      %mul3A_385 = arith.constant 16 : i32
      %mul3A_386 = arith.muli %scan3A_384, %mul3A_385 : i32
      %get3A = arith.index_cast %mul3A_386 : i32 to index
      %get3A_387 = tpu.vector_load %arg5[%get3A] {strides = array<i32>} : memref<832xi32, #tpu.memory_space<vmem>>, vector<16xi32>,
      %get3A_388 = vector.shape_cast %get3A_387 : vector<16xi32> to vector<16xi32>
      %lt3A = arith.constant 512000 : i32
      %lt3A_389 = vector.broadcast %lt3A : i32 to vector<16xi32>
      %lt3A_390 = arith.cmpi slt, %get3A_388, %lt3A_389 : vector<16xi32>
      %add3A_391 = arith.addi %get3A_388, %get3A_388 : vector<16xi32>
      %add3A_392 = arith.addi %get3A_388, %get3A_388 : vector<16xi32>
      %sub3A = arith.constant 1023999 : i32
      %sub3A_393 = vector.broadcast %sub3A : i32 to vector<16xi32>
      %sub3A_394 = arith.subi %add3A_392, %sub3A_393 : vector<16xi32>
      %select_n3A = arith.select %lt3A_390, %add3A_391, %sub3A_394 : vector<16xi1>, vector<16xi32>
      %mul3A_395 = arith.constant 16 : i32
      %mul3A_396 = arith.muli %scan3A_384, %mul3A_395 : i32
      %swap3A = arith.index_cast %mul3A_396 : i32 to index
      %swap3A_397 = tpu.vector_load %arg5[%swap3A] {strides = array<i32>} : memref<832xi32, #tpu.memory_space<vmem>>, vector<16xi32>,
      %swap3A_398 = vector.shape_cast %swap3A_397 : vector<16xi32> to vector<16xi32>
      %swap3A_399 = vector.shape_cast %select_n3A : vector<16xi32> to vector<16xi32>
      tpu.vector_store %arg5[%swap3A], %swap3A_399 {strides = array<i32>} : memref<832xi32, #tpu.memory_space<vmem>>, vector<16xi32>,
    }
    %scan3A_138 = arith.constant 52 : i32
    %dma_start3A_139 = arith.constant 0 : i32
    %dma_start3A_140 = arith.constant 0 : i32
    %dma_start3A_141 = tpu.memref_slice %arg2[%dma_start3A_139, %dma_start3A_140] : memref<1024000x64xf32, #tpu.memory_space<hbm>> -> memref<1024000x64xf32, #tpu.memory_space<hbm>>
    tpu.enqueue_indirect_dma source(%dma_start3A_141 : memref<1024000x64xf32, #tpu.memory_space<hbm>>) target(%arg7 : memref<832x64xf32, #tpu.memory_space<vmem>>) offsets(%arg5 : memref<832xi32, #tpu.memory_space<vmem>>) semaphore(%arg9 : memref<!tpu.dma_semaphore, #tpu.memory_space<semaphore_mem>>)
    %add3A_142 = arith.constant 4160 : i32
    %add3A_143 = arith.addi %mul3A_2, %add3A_142 : i32
    %dma_wait3A_144 = arith.constant 0 : i32
    %dma_wait3A_145 = arith.constant 0 : i32
    %dma_wait3A_146 = tpu.memref_slice %arg2[%dma_wait3A_144, %dma_wait3A_145] : memref<1024000x64xf32, #tpu.memory_space<hbm>> -> memref<1024000x64xf32, #tpu.memory_space<hbm>>
    tpu.wait_indirect_dma semaphore(%arg10 : memref<!tpu.dma_semaphore, #tpu.memory_space<semaphore_mem>>) src(%dma_wait3A_146 : memref<1024000x64xf32, #tpu.memory_space<hbm>>) dst(%arg8 : memref<832x64xf32, #tpu.memory_space<vmem>>)
    %dma_start3A_147 = arith.constant 0 : i32
    %dma_start3A_148 = tpu.memref_slice %arg4[%add3A_143, %dma_start3A_147] : memref<425984x64xf32, #tpu.memory_space<hbm>> -> memref<832x64xf32, #tpu.memory_space<hbm>>
    %dma_start3A_149 = arith.constant 0 : i32
    %dma_start3A_150 = tpu.memref_slice %arg4[%add3A_143, %dma_start3A_149] : memref<425984x64xf32, #tpu.memory_space<hbm>> -> memref<832x64xf32, #tpu.memory_space<hbm>>
    tpu.enqueue_dma source(%arg8 : memref<832x64xf32, #tpu.memory_space<vmem>>) target(%dma_start3A_150 : memref<832x64xf32, #tpu.memory_space<hbm>>) target_semaphore(%arg12 : memref<!tpu.dma_semaphore, #tpu.memory_space<semaphore_mem>>)
    %add3A_151 = arith.constant 5824 : i32
    %add3A_152 = arith.addi %mul3A_2, %add3A_151 : i32
    %dma_wait3A_153 = arith.constant 0 : i32
    %dma_wait3A_154 = tpu.memref_slice %arg4[%add3A_143, %dma_wait3A_153] : memref<425984x64xf32, #tpu.memory_space<hbm>> -> memref<832x64xf32, #tpu.memory_space<hbm>>
    %dma_wait3A_155 = arith.constant 0 : i32
    %dma_wait3A_156 = tpu.memref_slice %arg4[%add3A_143, %dma_wait3A_155] : memref<425984x64xf32, #tpu.memory_space<hbm>> -> memref<832x64xf32, #tpu.memory_space<hbm>>
    tpu.wait_dma2 semaphore(%arg12 : memref<!tpu.dma_semaphore, #tpu.memory_space<semaphore_mem>>) src(%arg8 : memref<832x64xf32, #tpu.memory_space<vmem>>) dst(%dma_wait3A_156 : memref<832x64xf32, #tpu.memory_space<hbm>>)
    "tpu.region"() ({
      %run_scoped3A = tpu.sem_alloc : memref<!tpu.dma_semaphore, #tpu.memory_space<semaphore_mem>>
      %dma_start3A_384 = tpu.memref_slice %arg3[%add3A_152] : memref<425984xi32, #tpu.memory_space<hbm>> -> memref<832xi32, #tpu.memory_space<hbm>>
      %dma_start3A_385 = tpu.memref_slice %arg3[%add3A_152] : memref<425984xi32, #tpu.memory_space<hbm>> -> memref<832xi32, #tpu.memory_space<hbm>>
      tpu.enqueue_dma source(%dma_start3A_385 : memref<832xi32, #tpu.memory_space<hbm>>) target(%arg6 : memref<832xi32, #tpu.memory_space<vmem>>) target_semaphore(%run_scoped3A : memref<!tpu.dma_semaphore, #tpu.memory_space<semaphore_mem>>)
      %dma_wait3A_386 = tpu.memref_slice %arg3[%add3A_152] : memref<425984xi32, #tpu.memory_space<hbm>> -> memref<832xi32, #tpu.memory_space<hbm>>
      %dma_wait3A_387 = tpu.memref_slice %arg3[%add3A_152] : memref<425984xi32, #tpu.memory_space<hbm>> -> memref<832xi32, #tpu.memory_space<hbm>>
      tpu.wait_dma2 semaphore(%run_scoped3A : memref<!tpu.dma_semaphore, #tpu.memory_space<semaphore_mem>>) src(%dma_wait3A_387 : memref<832xi32, #tpu.memory_space<hbm>>) dst(%arg6 : memref<832xi32, #tpu.memory_space<vmem>>)
      tpu.yield
    }) : () -> ()
    %scan3A_157 = arith.constant 0 : i32
    %scan3A_158 = arith.constant 0 : i32
    %scan3A_159 = arith.constant 52 : i32
    %scan3A_160 = arith.addi %scan3A_158, %scan3A_159 : i32
    %scan3A_161 = arith.constant 1 : i32
    scf.for %scan3A_384 = %scan3A_158 to %scan3A_160 step %scan3A_161  : i32 {
      %mul3A_385 = arith.constant 16 : i32
      %mul3A_386 = arith.muli %scan3A_384, %mul3A_385 : i32
      %get3A = arith.index_cast %mul3A_386 : i32 to index
      %get3A_387 = tpu.vector_load %arg6[%get3A] {strides = array<i32>} : memref<832xi32, #tpu.memory_space<vmem>>, vector<16xi32>,
      %get3A_388 = vector.shape_cast %get3A_387 : vector<16xi32> to vector<16xi32>
      %lt3A = arith.constant 512000 : i32
      %lt3A_389 = vector.broadcast %lt3A : i32 to vector<16xi32>
      %lt3A_390 = arith.cmpi slt, %get3A_388, %lt3A_389 : vector<16xi32>
      %add3A_391 = arith.addi %get3A_388, %get3A_388 : vector<16xi32>
      %add3A_392 = arith.addi %get3A_388, %get3A_388 : vector<16xi32>
      %sub3A = arith.constant 1023999 : i32
      %sub3A_393 = vector.broadcast %sub3A : i32 to vector<16xi32>
      %sub3A_394 = arith.subi %add3A_392, %sub3A_393 : vector<16xi32>
      %select_n3A = arith.select %lt3A_390, %add3A_391, %sub3A_394 : vector<16xi1>, vector<16xi32>
      %mul3A_395 = arith.constant 16 : i32
      %mul3A_396 = arith.muli %scan3A_384, %mul3A_395 : i32
      %swap3A = arith.index_cast %mul3A_396 : i32 to index
      %swap3A_397 = tpu.vector_load %arg6[%swap3A] {strides = array<i32>} : memref<832xi32, #tpu.memory_space<vmem>>, vector<16xi32>,
      %swap3A_398 = vector.shape_cast %swap3A_397 : vector<16xi32> to vector<16xi32>
      %swap3A_399 = vector.shape_cast %select_n3A : vector<16xi32> to vector<16xi32>
      tpu.vector_store %arg6[%swap3A], %swap3A_399 {strides = array<i32>} : memref<832xi32, #tpu.memory_space<vmem>>, vector<16xi32>,
    }
    %scan3A_162 = arith.constant 52 : i32
    %dma_start3A_163 = arith.constant 0 : i32
    %dma_start3A_164 = arith.constant 0 : i32
    %dma_start3A_165 = tpu.memref_slice %arg2[%dma_start3A_163, %dma_start3A_164] : memref<1024000x64xf32, #tpu.memory_space<hbm>> -> memref<1024000x64xf32, #tpu.memory_space<hbm>>
    tpu.enqueue_indirect_dma source(%dma_start3A_165 : memref<1024000x64xf32, #tpu.memory_space<hbm>>) target(%arg8 : memref<832x64xf32, #tpu.memory_space<vmem>>) offsets(%arg6 : memref<832xi32, #tpu.memory_space<vmem>>) semaphore(%arg10 : memref<!tpu.dma_semaphore, #tpu.memory_space<semaphore_mem>>)
    %add3A_166 = arith.constant 4992 : i32
    %add3A_167 = arith.addi %mul3A_2, %add3A_166 : i32
    %dma_wait3A_168 = arith.constant 0 : i32
    %dma_wait3A_169 = arith.constant 0 : i32
    %dma_wait3A_170 = tpu.memref_slice %arg2[%dma_wait3A_168, %dma_wait3A_169] : memref<1024000x64xf32, #tpu.memory_space<hbm>> -> memref<1024000x64xf32, #tpu.memory_space<hbm>>
    tpu.wait_indirect_dma semaphore(%arg9 : memref<!tpu.dma_semaphore, #tpu.memory_space<semaphore_mem>>) src(%dma_wait3A_170 : memref<1024000x64xf32, #tpu.memory_space<hbm>>) dst(%arg7 : memref<832x64xf32, #tpu.memory_space<vmem>>)
    %dma_start3A_171 = arith.constant 0 : i32
    %dma_start3A_172 = tpu.memref_slice %arg4[%add3A_167, %dma_start3A_171] : memref<425984x64xf32, #tpu.memory_space<hbm>> -> memref<832x64xf32, #tpu.memory_space<hbm>>
    %dma_start3A_173 = arith.constant 0 : i32
    %dma_start3A_174 = tpu.memref_slice %arg4[%add3A_167, %dma_start3A_173] : memref<425984x64xf32, #tpu.memory_space<hbm>> -> memref<832x64xf32, #tpu.memory_space<hbm>>
    tpu.enqueue_dma source(%arg7 : memref<832x64xf32, #tpu.memory_space<vmem>>) target(%dma_start3A_174 : memref<832x64xf32, #tpu.memory_space<hbm>>) target_semaphore(%arg11 : memref<!tpu.dma_semaphore, #tpu.memory_space<semaphore_mem>>)
    %add3A_175 = arith.constant 6656 : i32
    %add3A_176 = arith.addi %mul3A_2, %add3A_175 : i32
    %dma_wait3A_177 = arith.constant 0 : i32
    %dma_wait3A_178 = tpu.memref_slice %arg4[%add3A_167, %dma_wait3A_177] : memref<425984x64xf32, #tpu.memory_space<hbm>> -> memref<832x64xf32, #tpu.memory_space<hbm>>
    %dma_wait3A_179 = arith.constant 0 : i32
    %dma_wait3A_180 = tpu.memref_slice %arg4[%add3A_167, %dma_wait3A_179] : memref<425984x64xf32, #tpu.memory_space<hbm>> -> memref<832x64xf32, #tpu.memory_space<hbm>>
    tpu.wait_dma2 semaphore(%arg11 : memref<!tpu.dma_semaphore, #tpu.memory_space<semaphore_mem>>) src(%arg7 : memref<832x64xf32, #tpu.memory_space<vmem>>) dst(%dma_wait3A_180 : memref<832x64xf32, #tpu.memory_space<hbm>>)
    "tpu.region"() ({
      %run_scoped3A = tpu.sem_alloc : memref<!tpu.dma_semaphore, #tpu.memory_space<semaphore_mem>>
      %dma_start3A_384 = tpu.memref_slice %arg3[%add3A_176] : memref<425984xi32, #tpu.memory_space<hbm>> -> memref<832xi32, #tpu.memory_space<hbm>>
      %dma_start3A_385 = tpu.memref_slice %arg3[%add3A_176] : memref<425984xi32, #tpu.memory_space<hbm>> -> memref<832xi32, #tpu.memory_space<hbm>>
      tpu.enqueue_dma source(%dma_start3A_385 : memref<832xi32, #tpu.memory_space<hbm>>) target(%arg5 : memref<832xi32, #tpu.memory_space<vmem>>) target_semaphore(%run_scoped3A : memref<!tpu.dma_semaphore, #tpu.memory_space<semaphore_mem>>)
      %dma_wait3A_386 = tpu.memref_slice %arg3[%add3A_176] : memref<425984xi32, #tpu.memory_space<hbm>> -> memref<832xi32, #tpu.memory_space<hbm>>
      %dma_wait3A_387 = tpu.memref_slice %arg3[%add3A_176] : memref<425984xi32, #tpu.memory_space<hbm>> -> memref<832xi32, #tpu.memory_space<hbm>>
      tpu.wait_dma2 semaphore(%run_scoped3A : memref<!tpu.dma_semaphore, #tpu.memory_space<semaphore_mem>>) src(%dma_wait3A_387 : memref<832xi32, #tpu.memory_space<hbm>>) dst(%arg5 : memref<832xi32, #tpu.memory_space<vmem>>)
      tpu.yield
    }) : () -> ()
    %scan3A_181 = arith.constant 0 : i32
    %scan3A_182 = arith.constant 0 : i32
    %scan3A_183 = arith.constant 52 : i32
    %scan3A_184 = arith.addi %scan3A_182, %scan3A_183 : i32
    %scan3A_185 = arith.constant 1 : i32
    scf.for %scan3A_384 = %scan3A_182 to %scan3A_184 step %scan3A_185  : i32 {
      %mul3A_385 = arith.constant 16 : i32
      %mul3A_386 = arith.muli %scan3A_384, %mul3A_385 : i32
      %get3A = arith.index_cast %mul3A_386 : i32 to index
      %get3A_387 = tpu.vector_load %arg5[%get3A] {strides = array<i32>} : memref<832xi32, #tpu.memory_space<vmem>>, vector<16xi32>,
      %get3A_388 = vector.shape_cast %get3A_387 : vector<16xi32> to vector<16xi32>
      %lt3A = arith.constant 512000 : i32
      %lt3A_389 = vector.broadcast %lt3A : i32 to vector<16xi32>
      %lt3A_390 = arith.cmpi slt, %get3A_388, %lt3A_389 : vector<16xi32>
      %add3A_391 = arith.addi %get3A_388, %get3A_388 : vector<16xi32>
      %add3A_392 = arith.addi %get3A_388, %get3A_388 : vector<16xi32>
      %sub3A = arith.constant 1023999 : i32
      %sub3A_393 = vector.broadcast %sub3A : i32 to vector<16xi32>
      %sub3A_394 = arith.subi %add3A_392, %sub3A_393 : vector<16xi32>
      %select_n3A = arith.select %lt3A_390, %add3A_391, %sub3A_394 : vector<16xi1>, vector<16xi32>
      %mul3A_395 = arith.constant 16 : i32
      %mul3A_396 = arith.muli %scan3A_384, %mul3A_395 : i32
      %swap3A = arith.index_cast %mul3A_396 : i32 to index
      %swap3A_397 = tpu.vector_load %arg5[%swap3A] {strides = array<i32>} : memref<832xi32, #tpu.memory_space<vmem>>, vector<16xi32>,
      %swap3A_398 = vector.shape_cast %swap3A_397 : vector<16xi32> to vector<16xi32>
      %swap3A_399 = vector.shape_cast %select_n3A : vector<16xi32> to vector<16xi32>
      tpu.vector_store %arg5[%swap3A], %swap3A_399 {strides = array<i32>} : memref<832xi32, #tpu.memory_space<vmem>>, vector<16xi32>,
    }
    %scan3A_186 = arith.constant 52 : i32
    %dma_start3A_187 = arith.constant 0 : i32
    %dma_start3A_188 = arith.constant 0 : i32
    %dma_start3A_189 = tpu.memref_slice %arg2[%dma_start3A_187, %dma_start3A_188] : memref<1024000x64xf32, #tpu.memory_space<hbm>> -> memref<1024000x64xf32, #tpu.memory_space<hbm>>
    tpu.enqueue_indirect_dma source(%dma_start3A_189 : memref<1024000x64xf32, #tpu.memory_space<hbm>>) target(%arg7 : memref<832x64xf32, #tpu.memory_space<vmem>>) offsets(%arg5 : memref<832xi32, #tpu.memory_space<vmem>>) semaphore(%arg9 : memref<!tpu.dma_semaphore, #tpu.memory_space<semaphore_mem>>)
    %add3A_190 = arith.constant 5824 : i32
    %add3A_191 = arith.addi %mul3A_2, %add3A_190 : i32
    %dma_wait3A_192 = arith.constant 0 : i32
    %dma_wait3A_193 = arith.constant 0 : i32
    %dma_wait3A_194 = tpu.memref_slice %arg2[%dma_wait3A_192, %dma_wait3A_193] : memref<1024000x64xf32, #tpu.memory_space<hbm>> -> memref<1024000x64xf32, #tpu.memory_space<hbm>>
    tpu.wait_indirect_dma semaphore(%arg10 : memref<!tpu.dma_semaphore, #tpu.memory_space<semaphore_mem>>) src(%dma_wait3A_194 : memref<1024000x64xf32, #tpu.memory_space<hbm>>) dst(%arg8 : memref<832x64xf32, #tpu.memory_space<vmem>>)
    %dma_start3A_195 = arith.constant 0 : i32
    %dma_start3A_196 = tpu.memref_slice %arg4[%add3A_191, %dma_start3A_195] : memref<425984x64xf32, #tpu.memory_space<hbm>> -> memref<832x64xf32, #tpu.memory_space<hbm>>
    %dma_start3A_197 = arith.constant 0 : i32
    %dma_start3A_198 = tpu.memref_slice %arg4[%add3A_191, %dma_start3A_197] : memref<425984x64xf32, #tpu.memory_space<hbm>> -> memref<832x64xf32, #tpu.memory_space<hbm>>
    tpu.enqueue_dma source(%arg8 : memref<832x64xf32, #tpu.memory_space<vmem>>) target(%dma_start3A_198 : memref<832x64xf32, #tpu.memory_space<hbm>>) target_semaphore(%arg12 : memref<!tpu.dma_semaphore, #tpu.memory_space<semaphore_mem>>)
    %add3A_199 = arith.constant 7488 : i32
    %add3A_200 = arith.addi %mul3A_2, %add3A_199 : i32
    %dma_wait3A_201 = arith.constant 0 : i32
    %dma_wait3A_202 = tpu.memref_slice %arg4[%add3A_191, %dma_wait3A_201] : memref<425984x64xf32, #tpu.memory_space<hbm>> -> memref<832x64xf32, #tpu.memory_space<hbm>>
    %dma_wait3A_203 = arith.constant 0 : i32
    %dma_wait3A_204 = tpu.memref_slice %arg4[%add3A_191, %dma_wait3A_203] : memref<425984x64xf32, #tpu.memory_space<hbm>> -> memref<832x64xf32, #tpu.memory_space<hbm>>
    tpu.wait_dma2 semaphore(%arg12 : memref<!tpu.dma_semaphore, #tpu.memory_space<semaphore_mem>>) src(%arg8 : memref<832x64xf32, #tpu.memory_space<vmem>>) dst(%dma_wait3A_204 : memref<832x64xf32, #tpu.memory_space<hbm>>)
    "tpu.region"() ({
      %run_scoped3A = tpu.sem_alloc : memref<!tpu.dma_semaphore, #tpu.memory_space<semaphore_mem>>
      %dma_start3A_384 = tpu.memref_slice %arg3[%add3A_200] : memref<425984xi32, #tpu.memory_space<hbm>> -> memref<832xi32, #tpu.memory_space<hbm>>
      %dma_start3A_385 = tpu.memref_slice %arg3[%add3A_200] : memref<425984xi32, #tpu.memory_space<hbm>> -> memref<832xi32, #tpu.memory_space<hbm>>
      tpu.enqueue_dma source(%dma_start3A_385 : memref<832xi32, #tpu.memory_space<hbm>>) target(%arg6 : memref<832xi32, #tpu.memory_space<vmem>>) target_semaphore(%run_scoped3A : memref<!tpu.dma_semaphore, #tpu.memory_space<semaphore_mem>>)
      %dma_wait3A_386 = tpu.memref_slice %arg3[%add3A_200] : memref<425984xi32, #tpu.memory_space<hbm>> -> memref<832xi32, #tpu.memory_space<hbm>>
      %dma_wait3A_387 = tpu.memref_slice %arg3[%add3A_200] : memref<425984xi32, #tpu.memory_space<hbm>> -> memref<832xi32, #tpu.memory_space<hbm>>
      tpu.wait_dma2 semaphore(%run_scoped3A : memref<!tpu.dma_semaphore, #tpu.memory_space<semaphore_mem>>) src(%dma_wait3A_387 : memref<832xi32, #tpu.memory_space<hbm>>) dst(%arg6 : memref<832xi32, #tpu.memory_space<vmem>>)
      tpu.yield
    }) : () -> ()
    %scan3A_205 = arith.constant 0 : i32
    %scan3A_206 = arith.constant 0 : i32
    %scan3A_207 = arith.constant 52 : i32
    %scan3A_208 = arith.addi %scan3A_206, %scan3A_207 : i32
    %scan3A_209 = arith.constant 1 : i32
    scf.for %scan3A_384 = %scan3A_206 to %scan3A_208 step %scan3A_209  : i32 {
      %mul3A_385 = arith.constant 16 : i32
      %mul3A_386 = arith.muli %scan3A_384, %mul3A_385 : i32
      %get3A = arith.index_cast %mul3A_386 : i32 to index
      %get3A_387 = tpu.vector_load %arg6[%get3A] {strides = array<i32>} : memref<832xi32, #tpu.memory_space<vmem>>, vector<16xi32>,
      %get3A_388 = vector.shape_cast %get3A_387 : vector<16xi32> to vector<16xi32>
      %lt3A = arith.constant 512000 : i32
      %lt3A_389 = vector.broadcast %lt3A : i32 to vector<16xi32>
      %lt3A_390 = arith.cmpi slt, %get3A_388, %lt3A_389 : vector<16xi32>
      %add3A_391 = arith.addi %get3A_388, %get3A_388 : vector<16xi32>
      %add3A_392 = arith.addi %get3A_388, %get3A_388 : vector<16xi32>
      %sub3A = arith.constant 1023999 : i32
      %sub3A_393 = vector.broadcast %sub3A : i32 to vector<16xi32>
      %sub3A_394 = arith.subi %add3A_392, %sub3A_393 : vector<16xi32>
      %select_n3A = arith.select %lt3A_390, %add3A_391, %sub3A_394 : vector<16xi1>, vector<16xi32>
      %mul3A_395 = arith.constant 16 : i32
      %mul3A_396 = arith.muli %scan3A_384, %mul3A_395 : i32
      %swap3A = arith.index_cast %mul3A_396 : i32 to index
      %swap3A_397 = tpu.vector_load %arg6[%swap3A] {strides = array<i32>} : memref<832xi32, #tpu.memory_space<vmem>>, vector<16xi32>,
      %swap3A_398 = vector.shape_cast %swap3A_397 : vector<16xi32> to vector<16xi32>
      %swap3A_399 = vector.shape_cast %select_n3A : vector<16xi32> to vector<16xi32>
      tpu.vector_store %arg6[%swap3A], %swap3A_399 {strides = array<i32>} : memref<832xi32, #tpu.memory_space<vmem>>, vector<16xi32>,
    }
    %scan3A_210 = arith.constant 52 : i32
    %dma_start3A_211 = arith.constant 0 : i32
    %dma_start3A_212 = arith.constant 0 : i32
    %dma_start3A_213 = tpu.memref_slice %arg2[%dma_start3A_211, %dma_start3A_212] : memref<1024000x64xf32, #tpu.memory_space<hbm>> -> memref<1024000x64xf32, #tpu.memory_space<hbm>>
    tpu.enqueue_indirect_dma source(%dma_start3A_213 : memref<1024000x64xf32, #tpu.memory_space<hbm>>) target(%arg8 : memref<832x64xf32, #tpu.memory_space<vmem>>) offsets(%arg6 : memref<832xi32, #tpu.memory_space<vmem>>) semaphore(%arg10 : memref<!tpu.dma_semaphore, #tpu.memory_space<semaphore_mem>>)
    %add3A_214 = arith.constant 6656 : i32
    %add3A_215 = arith.addi %mul3A_2, %add3A_214 : i32
    %dma_wait3A_216 = arith.constant 0 : i32
    %dma_wait3A_217 = arith.constant 0 : i32
    %dma_wait3A_218 = tpu.memref_slice %arg2[%dma_wait3A_216, %dma_wait3A_217] : memref<1024000x64xf32, #tpu.memory_space<hbm>> -> memref<1024000x64xf32, #tpu.memory_space<hbm>>
    tpu.wait_indirect_dma semaphore(%arg9 : memref<!tpu.dma_semaphore, #tpu.memory_space<semaphore_mem>>) src(%dma_wait3A_218 : memref<1024000x64xf32, #tpu.memory_space<hbm>>) dst(%arg7 : memref<832x64xf32, #tpu.memory_space<vmem>>)
    %dma_start3A_219 = arith.constant 0 : i32
    %dma_start3A_220 = tpu.memref_slice %arg4[%add3A_215, %dma_start3A_219] : memref<425984x64xf32, #tpu.memory_space<hbm>> -> memref<832x64xf32, #tpu.memory_space<hbm>>
    %dma_start3A_221 = arith.constant 0 : i32
    %dma_start3A_222 = tpu.memref_slice %arg4[%add3A_215, %dma_start3A_221] : memref<425984x64xf32, #tpu.memory_space<hbm>> -> memref<832x64xf32, #tpu.memory_space<hbm>>
    tpu.enqueue_dma source(%arg7 : memref<832x64xf32, #tpu.memory_space<vmem>>) target(%dma_start3A_222 : memref<832x64xf32, #tpu.memory_space<hbm>>) target_semaphore(%arg11 : memref<!tpu.dma_semaphore, #tpu.memory_space<semaphore_mem>>)
    %add3A_223 = arith.constant 8320 : i32
    %add3A_224 = arith.addi %mul3A_2, %add3A_223 : i32
    %dma_wait3A_225 = arith.constant 0 : i32
    %dma_wait3A_226 = tpu.memref_slice %arg4[%add3A_215, %dma_wait3A_225] : memref<425984x64xf32, #tpu.memory_space<hbm>> -> memref<832x64xf32, #tpu.memory_space<hbm>>
    %dma_wait3A_227 = arith.constant 0 : i32
    %dma_wait3A_228 = tpu.memref_slice %arg4[%add3A_215, %dma_wait3A_227] : memref<425984x64xf32, #tpu.memory_space<hbm>> -> memref<832x64xf32, #tpu.memory_space<hbm>>
    tpu.wait_dma2 semaphore(%arg11 : memref<!tpu.dma_semaphore, #tpu.memory_space<semaphore_mem>>) src(%arg7 : memref<832x64xf32, #tpu.memory_space<vmem>>) dst(%dma_wait3A_228 : memref<832x64xf32, #tpu.memory_space<hbm>>)
    "tpu.region"() ({
      %run_scoped3A = tpu.sem_alloc : memref<!tpu.dma_semaphore, #tpu.memory_space<semaphore_mem>>
      %dma_start3A_384 = tpu.memref_slice %arg3[%add3A_224] : memref<425984xi32, #tpu.memory_space<hbm>> -> memref<832xi32, #tpu.memory_space<hbm>>
      %dma_start3A_385 = tpu.memref_slice %arg3[%add3A_224] : memref<425984xi32, #tpu.memory_space<hbm>> -> memref<832xi32, #tpu.memory_space<hbm>>
      tpu.enqueue_dma source(%dma_start3A_385 : memref<832xi32, #tpu.memory_space<hbm>>) target(%arg5 : memref<832xi32, #tpu.memory_space<vmem>>) target_semaphore(%run_scoped3A : memref<!tpu.dma_semaphore, #tpu.memory_space<semaphore_mem>>)
      %dma_wait3A_386 = tpu.memref_slice %arg3[%add3A_224] : memref<425984xi32, #tpu.memory_space<hbm>> -> memref<832xi32, #tpu.memory_space<hbm>>
      %dma_wait3A_387 = tpu.memref_slice %arg3[%add3A_224] : memref<425984xi32, #tpu.memory_space<hbm>> -> memref<832xi32, #tpu.memory_space<hbm>>
      tpu.wait_dma2 semaphore(%run_scoped3A : memref<!tpu.dma_semaphore, #tpu.memory_space<semaphore_mem>>) src(%dma_wait3A_387 : memref<832xi32, #tpu.memory_space<hbm>>) dst(%arg5 : memref<832xi32, #tpu.memory_space<vmem>>)
      tpu.yield
    }) : () -> ()
    %scan3A_229 = arith.constant 0 : i32
    %scan3A_230 = arith.constant 0 : i32
    %scan3A_231 = arith.constant 52 : i32
    %scan3A_232 = arith.addi %scan3A_230, %scan3A_231 : i32
    %scan3A_233 = arith.constant 1 : i32
    scf.for %scan3A_384 = %scan3A_230 to %scan3A_232 step %scan3A_233  : i32 {
      %mul3A_385 = arith.constant 16 : i32
      %mul3A_386 = arith.muli %scan3A_384, %mul3A_385 : i32
      %get3A = arith.index_cast %mul3A_386 : i32 to index
      %get3A_387 = tpu.vector_load %arg5[%get3A] {strides = array<i32>} : memref<832xi32, #tpu.memory_space<vmem>>, vector<16xi32>,
      %get3A_388 = vector.shape_cast %get3A_387 : vector<16xi32> to vector<16xi32>
      %lt3A = arith.constant 512000 : i32
      %lt3A_389 = vector.broadcast %lt3A : i32 to vector<16xi32>
      %lt3A_390 = arith.cmpi slt, %get3A_388, %lt3A_389 : vector<16xi32>
      %add3A_391 = arith.addi %get3A_388, %get3A_388 : vector<16xi32>
      %add3A_392 = arith.addi %get3A_388, %get3A_388 : vector<16xi32>
      %sub3A = arith.constant 1023999 : i32
      %sub3A_393 = vector.broadcast %sub3A : i32 to vector<16xi32>
      %sub3A_394 = arith.subi %add3A_392, %sub3A_393 : vector<16xi32>
      %select_n3A = arith.select %lt3A_390, %add3A_391, %sub3A_394 : vector<16xi1>, vector<16xi32>
      %mul3A_395 = arith.constant 16 : i32
      %mul3A_396 = arith.muli %scan3A_384, %mul3A_395 : i32
      %swap3A = arith.index_cast %mul3A_396 : i32 to index
      %swap3A_397 = tpu.vector_load %arg5[%swap3A] {strides = array<i32>} : memref<832xi32, #tpu.memory_space<vmem>>, vector<16xi32>,
      %swap3A_398 = vector.shape_cast %swap3A_397 : vector<16xi32> to vector<16xi32>
      %swap3A_399 = vector.shape_cast %select_n3A : vector<16xi32> to vector<16xi32>
      tpu.vector_store %arg5[%swap3A], %swap3A_399 {strides = array<i32>} : memref<832xi32, #tpu.memory_space<vmem>>, vector<16xi32>,
    }
    %scan3A_234 = arith.constant 52 : i32
    %dma_start3A_235 = arith.constant 0 : i32
    %dma_start3A_236 = arith.constant 0 : i32
    %dma_start3A_237 = tpu.memref_slice %arg2[%dma_start3A_235, %dma_start3A_236] : memref<1024000x64xf32, #tpu.memory_space<hbm>> -> memref<1024000x64xf32, #tpu.memory_space<hbm>>
    tpu.enqueue_indirect_dma source(%dma_start3A_237 : memref<1024000x64xf32, #tpu.memory_space<hbm>>) target(%arg7 : memref<832x64xf32, #tpu.memory_space<vmem>>) offsets(%arg5 : memref<832xi32, #tpu.memory_space<vmem>>) semaphore(%arg9 : memref<!tpu.dma_semaphore, #tpu.memory_space<semaphore_mem>>)
    %add3A_238 = arith.constant 7488 : i32
    %add3A_239 = arith.addi %mul3A_2, %add3A_238 : i32
    %dma_wait3A_240 = arith.constant 0 : i32
    %dma_wait3A_241 = arith.constant 0 : i32
    %dma_wait3A_242 = tpu.memref_slice %arg2[%dma_wait3A_240, %dma_wait3A_241] : memref<1024000x64xf32, #tpu.memory_space<hbm>> -> memref<1024000x64xf32, #tpu.memory_space<hbm>>
    tpu.wait_indirect_dma semaphore(%arg10 : memref<!tpu.dma_semaphore, #tpu.memory_space<semaphore_mem>>) src(%dma_wait3A_242 : memref<1024000x64xf32, #tpu.memory_space<hbm>>) dst(%arg8 : memref<832x64xf32, #tpu.memory_space<vmem>>)
    %dma_start3A_243 = arith.constant 0 : i32
    %dma_start3A_244 = tpu.memref_slice %arg4[%add3A_239, %dma_start3A_243] : memref<425984x64xf32, #tpu.memory_space<hbm>> -> memref<832x64xf32, #tpu.memory_space<hbm>>
    %dma_start3A_245 = arith.constant 0 : i32
    %dma_start3A_246 = tpu.memref_slice %arg4[%add3A_239, %dma_start3A_245] : memref<425984x64xf32, #tpu.memory_space<hbm>> -> memref<832x64xf32, #tpu.memory_space<hbm>>
    tpu.enqueue_dma source(%arg8 : memref<832x64xf32, #tpu.memory_space<vmem>>) target(%dma_start3A_246 : memref<832x64xf32, #tpu.memory_space<hbm>>) target_semaphore(%arg12 : memref<!tpu.dma_semaphore, #tpu.memory_space<semaphore_mem>>)
    %add3A_247 = arith.constant 9152 : i32
    %add3A_248 = arith.addi %mul3A_2, %add3A_247 : i32
    %dma_wait3A_249 = arith.constant 0 : i32
    %dma_wait3A_250 = tpu.memref_slice %arg4[%add3A_239, %dma_wait3A_249] : memref<425984x64xf32, #tpu.memory_space<hbm>> -> memref<832x64xf32, #tpu.memory_space<hbm>>
    %dma_wait3A_251 = arith.constant 0 : i32
    %dma_wait3A_252 = tpu.memref_slice %arg4[%add3A_239, %dma_wait3A_251] : memref<425984x64xf32, #tpu.memory_space<hbm>> -> memref<832x64xf32, #tpu.memory_space<hbm>>
    tpu.wait_dma2 semaphore(%arg12 : memref<!tpu.dma_semaphore, #tpu.memory_space<semaphore_mem>>) src(%arg8 : memref<832x64xf32, #tpu.memory_space<vmem>>) dst(%dma_wait3A_252 : memref<832x64xf32, #tpu.memory_space<hbm>>)
    "tpu.region"() ({
      %run_scoped3A = tpu.sem_alloc : memref<!tpu.dma_semaphore, #tpu.memory_space<semaphore_mem>>
      %dma_start3A_384 = tpu.memref_slice %arg3[%add3A_248] : memref<425984xi32, #tpu.memory_space<hbm>> -> memref<832xi32, #tpu.memory_space<hbm>>
      %dma_start3A_385 = tpu.memref_slice %arg3[%add3A_248] : memref<425984xi32, #tpu.memory_space<hbm>> -> memref<832xi32, #tpu.memory_space<hbm>>
      tpu.enqueue_dma source(%dma_start3A_385 : memref<832xi32, #tpu.memory_space<hbm>>) target(%arg6 : memref<832xi32, #tpu.memory_space<vmem>>) target_semaphore(%run_scoped3A : memref<!tpu.dma_semaphore, #tpu.memory_space<semaphore_mem>>)
      %dma_wait3A_386 = tpu.memref_slice %arg3[%add3A_248] : memref<425984xi32, #tpu.memory_space<hbm>> -> memref<832xi32, #tpu.memory_space<hbm>>
      %dma_wait3A_387 = tpu.memref_slice %arg3[%add3A_248] : memref<425984xi32, #tpu.memory_space<hbm>> -> memref<832xi32, #tpu.memory_space<hbm>>
      tpu.wait_dma2 semaphore(%run_scoped3A : memref<!tpu.dma_semaphore, #tpu.memory_space<semaphore_mem>>) src(%dma_wait3A_387 : memref<832xi32, #tpu.memory_space<hbm>>) dst(%arg6 : memref<832xi32, #tpu.memory_space<vmem>>)
      tpu.yield
    }) : () -> ()
    %scan3A_253 = arith.constant 0 : i32
    %scan3A_254 = arith.constant 0 : i32
    %scan3A_255 = arith.constant 52 : i32
    %scan3A_256 = arith.addi %scan3A_254, %scan3A_255 : i32
    %scan3A_257 = arith.constant 1 : i32
    scf.for %scan3A_384 = %scan3A_254 to %scan3A_256 step %scan3A_257  : i32 {
      %mul3A_385 = arith.constant 16 : i32
      %mul3A_386 = arith.muli %scan3A_384, %mul3A_385 : i32
      %get3A = arith.index_cast %mul3A_386 : i32 to index
      %get3A_387 = tpu.vector_load %arg6[%get3A] {strides = array<i32>} : memref<832xi32, #tpu.memory_space<vmem>>, vector<16xi32>,
      %get3A_388 = vector.shape_cast %get3A_387 : vector<16xi32> to vector<16xi32>
      %lt3A = arith.constant 512000 : i32
      %lt3A_389 = vector.broadcast %lt3A : i32 to vector<16xi32>
      %lt3A_390 = arith.cmpi slt, %get3A_388, %lt3A_389 : vector<16xi32>
      %add3A_391 = arith.addi %get3A_388, %get3A_388 : vector<16xi32>
      %add3A_392 = arith.addi %get3A_388, %get3A_388 : vector<16xi32>
      %sub3A = arith.constant 1023999 : i32
      %sub3A_393 = vector.broadcast %sub3A : i32 to vector<16xi32>
      %sub3A_394 = arith.subi %add3A_392, %sub3A_393 : vector<16xi32>
      %select_n3A = arith.select %lt3A_390, %add3A_391, %sub3A_394 : vector<16xi1>, vector<16xi32>
      %mul3A_395 = arith.constant 16 : i32
      %mul3A_396 = arith.muli %scan3A_384, %mul3A_395 : i32
      %swap3A = arith.index_cast %mul3A_396 : i32 to index
      %swap3A_397 = tpu.vector_load %arg6[%swap3A] {strides = array<i32>} : memref<832xi32, #tpu.memory_space<vmem>>, vector<16xi32>,
      %swap3A_398 = vector.shape_cast %swap3A_397 : vector<16xi32> to vector<16xi32>
      %swap3A_399 = vector.shape_cast %select_n3A : vector<16xi32> to vector<16xi32>
      tpu.vector_store %arg6[%swap3A], %swap3A_399 {strides = array<i32>} : memref<832xi32, #tpu.memory_space<vmem>>, vector<16xi32>,
    }
    %scan3A_258 = arith.constant 52 : i32
    %dma_start3A_259 = arith.constant 0 : i32
    %dma_start3A_260 = arith.constant 0 : i32
    %dma_start3A_261 = tpu.memref_slice %arg2[%dma_start3A_259, %dma_start3A_260] : memref<1024000x64xf32, #tpu.memory_space<hbm>> -> memref<1024000x64xf32, #tpu.memory_space<hbm>>
    tpu.enqueue_indirect_dma source(%dma_start3A_261 : memref<1024000x64xf32, #tpu.memory_space<hbm>>) target(%arg8 : memref<832x64xf32, #tpu.memory_space<vmem>>) offsets(%arg6 : memref<832xi32, #tpu.memory_space<vmem>>) semaphore(%arg10 : memref<!tpu.dma_semaphore, #tpu.memory_space<semaphore_mem>>)
    %add3A_262 = arith.constant 8320 : i32
    %add3A_263 = arith.addi %mul3A_2, %add3A_262 : i32
    %dma_wait3A_264 = arith.constant 0 : i32
    %dma_wait3A_265 = arith.constant 0 : i32
    %dma_wait3A_266 = tpu.memref_slice %arg2[%dma_wait3A_264, %dma_wait3A_265] : memref<1024000x64xf32, #tpu.memory_space<hbm>> -> memref<1024000x64xf32, #tpu.memory_space<hbm>>
    tpu.wait_indirect_dma semaphore(%arg9 : memref<!tpu.dma_semaphore, #tpu.memory_space<semaphore_mem>>) src(%dma_wait3A_266 : memref<1024000x64xf32, #tpu.memory_space<hbm>>) dst(%arg7 : memref<832x64xf32, #tpu.memory_space<vmem>>)
    %dma_start3A_267 = arith.constant 0 : i32
    %dma_start3A_268 = tpu.memref_slice %arg4[%add3A_263, %dma_start3A_267] : memref<425984x64xf32, #tpu.memory_space<hbm>> -> memref<832x64xf32, #tpu.memory_space<hbm>>
    %dma_start3A_269 = arith.constant 0 : i32
    %dma_start3A_270 = tpu.memref_slice %arg4[%add3A_263, %dma_start3A_269] : memref<425984x64xf32, #tpu.memory_space<hbm>> -> memref<832x64xf32, #tpu.memory_space<hbm>>
    tpu.enqueue_dma source(%arg7 : memref<832x64xf32, #tpu.memory_space<vmem>>) target(%dma_start3A_270 : memref<832x64xf32, #tpu.memory_space<hbm>>) target_semaphore(%arg11 : memref<!tpu.dma_semaphore, #tpu.memory_space<semaphore_mem>>)
    %add3A_271 = arith.constant 9984 : i32
    %add3A_272 = arith.addi %mul3A_2, %add3A_271 : i32
    %dma_wait3A_273 = arith.constant 0 : i32
    %dma_wait3A_274 = tpu.memref_slice %arg4[%add3A_263, %dma_wait3A_273] : memref<425984x64xf32, #tpu.memory_space<hbm>> -> memref<832x64xf32, #tpu.memory_space<hbm>>
    %dma_wait3A_275 = arith.constant 0 : i32
    %dma_wait3A_276 = tpu.memref_slice %arg4[%add3A_263, %dma_wait3A_275] : memref<425984x64xf32, #tpu.memory_space<hbm>> -> memref<832x64xf32, #tpu.memory_space<hbm>>
    tpu.wait_dma2 semaphore(%arg11 : memref<!tpu.dma_semaphore, #tpu.memory_space<semaphore_mem>>) src(%arg7 : memref<832x64xf32, #tpu.memory_space<vmem>>) dst(%dma_wait3A_276 : memref<832x64xf32, #tpu.memory_space<hbm>>)
    "tpu.region"() ({
      %run_scoped3A = tpu.sem_alloc : memref<!tpu.dma_semaphore, #tpu.memory_space<semaphore_mem>>
      %dma_start3A_384 = tpu.memref_slice %arg3[%add3A_272] : memref<425984xi32, #tpu.memory_space<hbm>> -> memref<832xi32, #tpu.memory_space<hbm>>
      %dma_start3A_385 = tpu.memref_slice %arg3[%add3A_272] : memref<425984xi32, #tpu.memory_space<hbm>> -> memref<832xi32, #tpu.memory_space<hbm>>
      tpu.enqueue_dma source(%dma_start3A_385 : memref<832xi32, #tpu.memory_space<hbm>>) target(%arg5 : memref<832xi32, #tpu.memory_space<vmem>>) target_semaphore(%run_scoped3A : memref<!tpu.dma_semaphore, #tpu.memory_space<semaphore_mem>>)
      %dma_wait3A_386 = tpu.memref_slice %arg3[%add3A_272] : memref<425984xi32, #tpu.memory_space<hbm>> -> memref<832xi32, #tpu.memory_space<hbm>>
      %dma_wait3A_387 = tpu.memref_slice %arg3[%add3A_272] : memref<425984xi32, #tpu.memory_space<hbm>> -> memref<832xi32, #tpu.memory_space<hbm>>
      tpu.wait_dma2 semaphore(%run_scoped3A : memref<!tpu.dma_semaphore, #tpu.memory_space<semaphore_mem>>) src(%dma_wait3A_387 : memref<832xi32, #tpu.memory_space<hbm>>) dst(%arg5 : memref<832xi32, #tpu.memory_space<vmem>>)
      tpu.yield
    }) : () -> ()
    %scan3A_277 = arith.constant 0 : i32
    %scan3A_278 = arith.constant 0 : i32
    %scan3A_279 = arith.constant 52 : i32
    %scan3A_280 = arith.addi %scan3A_278, %scan3A_279 : i32
    %scan3A_281 = arith.constant 1 : i32
    scf.for %scan3A_384 = %scan3A_278 to %scan3A_280 step %scan3A_281  : i32 {
      %mul3A_385 = arith.constant 16 : i32
      %mul3A_386 = arith.muli %scan3A_384, %mul3A_385 : i32
      %get3A = arith.index_cast %mul3A_386 : i32 to index
      %get3A_387 = tpu.vector_load %arg5[%get3A] {strides = array<i32>} : memref<832xi32, #tpu.memory_space<vmem>>, vector<16xi32>,
      %get3A_388 = vector.shape_cast %get3A_387 : vector<16xi32> to vector<16xi32>
      %lt3A = arith.constant 512000 : i32
      %lt3A_389 = vector.broadcast %lt3A : i32 to vector<16xi32>
      %lt3A_390 = arith.cmpi slt, %get3A_388, %lt3A_389 : vector<16xi32>
      %add3A_391 = arith.addi %get3A_388, %get3A_388 : vector<16xi32>
      %add3A_392 = arith.addi %get3A_388, %get3A_388 : vector<16xi32>
      %sub3A = arith.constant 1023999 : i32
      %sub3A_393 = vector.broadcast %sub3A : i32 to vector<16xi32>
      %sub3A_394 = arith.subi %add3A_392, %sub3A_393 : vector<16xi32>
      %select_n3A = arith.select %lt3A_390, %add3A_391, %sub3A_394 : vector<16xi1>, vector<16xi32>
      %mul3A_395 = arith.constant 16 : i32
      %mul3A_396 = arith.muli %scan3A_384, %mul3A_395 : i32
      %swap3A = arith.index_cast %mul3A_396 : i32 to index
      %swap3A_397 = tpu.vector_load %arg5[%swap3A] {strides = array<i32>} : memref<832xi32, #tpu.memory_space<vmem>>, vector<16xi32>,
      %swap3A_398 = vector.shape_cast %swap3A_397 : vector<16xi32> to vector<16xi32>
      %swap3A_399 = vector.shape_cast %select_n3A : vector<16xi32> to vector<16xi32>
      tpu.vector_store %arg5[%swap3A], %swap3A_399 {strides = array<i32>} : memref<832xi32, #tpu.memory_space<vmem>>, vector<16xi32>,
    }
    %scan3A_282 = arith.constant 52 : i32
    %dma_start3A_283 = arith.constant 0 : i32
    %dma_start3A_284 = arith.constant 0 : i32
    %dma_start3A_285 = tpu.memref_slice %arg2[%dma_start3A_283, %dma_start3A_284] : memref<1024000x64xf32, #tpu.memory_space<hbm>> -> memref<1024000x64xf32, #tpu.memory_space<hbm>>
    tpu.enqueue_indirect_dma source(%dma_start3A_285 : memref<1024000x64xf32, #tpu.memory_space<hbm>>) target(%arg7 : memref<832x64xf32, #tpu.memory_space<vmem>>) offsets(%arg5 : memref<832xi32, #tpu.memory_space<vmem>>) semaphore(%arg9 : memref<!tpu.dma_semaphore, #tpu.memory_space<semaphore_mem>>)
    %add3A_286 = arith.constant 9152 : i32
    %add3A_287 = arith.addi %mul3A_2, %add3A_286 : i32
    %dma_wait3A_288 = arith.constant 0 : i32
    %dma_wait3A_289 = arith.constant 0 : i32
    %dma_wait3A_290 = tpu.memref_slice %arg2[%dma_wait3A_288, %dma_wait3A_289] : memref<1024000x64xf32, #tpu.memory_space<hbm>> -> memref<1024000x64xf32, #tpu.memory_space<hbm>>
    tpu.wait_indirect_dma semaphore(%arg10 : memref<!tpu.dma_semaphore, #tpu.memory_space<semaphore_mem>>) src(%dma_wait3A_290 : memref<1024000x64xf32, #tpu.memory_space<hbm>>) dst(%arg8 : memref<832x64xf32, #tpu.memory_space<vmem>>)
    %dma_start3A_291 = arith.constant 0 : i32
    %dma_start3A_292 = tpu.memref_slice %arg4[%add3A_287, %dma_start3A_291] : memref<425984x64xf32, #tpu.memory_space<hbm>> -> memref<832x64xf32, #tpu.memory_space<hbm>>
    %dma_start3A_293 = arith.constant 0 : i32
    %dma_start3A_294 = tpu.memref_slice %arg4[%add3A_287, %dma_start3A_293] : memref<425984x64xf32, #tpu.memory_space<hbm>> -> memref<832x64xf32, #tpu.memory_space<hbm>>
    tpu.enqueue_dma source(%arg8 : memref<832x64xf32, #tpu.memory_space<vmem>>) target(%dma_start3A_294 : memref<832x64xf32, #tpu.memory_space<hbm>>) target_semaphore(%arg12 : memref<!tpu.dma_semaphore, #tpu.memory_space<semaphore_mem>>)
    %add3A_295 = arith.constant 10816 : i32
    %add3A_296 = arith.addi %mul3A_2, %add3A_295 : i32
    %dma_wait3A_297 = arith.constant 0 : i32
    %dma_wait3A_298 = tpu.memref_slice %arg4[%add3A_287, %dma_wait3A_297] : memref<425984x64xf32, #tpu.memory_space<hbm>> -> memref<832x64xf32, #tpu.memory_space<hbm>>
    %dma_wait3A_299 = arith.constant 0 : i32
    %dma_wait3A_300 = tpu.memref_slice %arg4[%add3A_287, %dma_wait3A_299] : memref<425984x64xf32, #tpu.memory_space<hbm>> -> memref<832x64xf32, #tpu.memory_space<hbm>>
    tpu.wait_dma2 semaphore(%arg12 : memref<!tpu.dma_semaphore, #tpu.memory_space<semaphore_mem>>) src(%arg8 : memref<832x64xf32, #tpu.memory_space<vmem>>) dst(%dma_wait3A_300 : memref<832x64xf32, #tpu.memory_space<hbm>>)
    "tpu.region"() ({
      %run_scoped3A = tpu.sem_alloc : memref<!tpu.dma_semaphore, #tpu.memory_space<semaphore_mem>>
      %dma_start3A_384 = tpu.memref_slice %arg3[%add3A_296] : memref<425984xi32, #tpu.memory_space<hbm>> -> memref<832xi32, #tpu.memory_space<hbm>>
      %dma_start3A_385 = tpu.memref_slice %arg3[%add3A_296] : memref<425984xi32, #tpu.memory_space<hbm>> -> memref<832xi32, #tpu.memory_space<hbm>>
      tpu.enqueue_dma source(%dma_start3A_385 : memref<832xi32, #tpu.memory_space<hbm>>) target(%arg6 : memref<832xi32, #tpu.memory_space<vmem>>) target_semaphore(%run_scoped3A : memref<!tpu.dma_semaphore, #tpu.memory_space<semaphore_mem>>)
      %dma_wait3A_386 = tpu.memref_slice %arg3[%add3A_296] : memref<425984xi32, #tpu.memory_space<hbm>> -> memref<832xi32, #tpu.memory_space<hbm>>
      %dma_wait3A_387 = tpu.memref_slice %arg3[%add3A_296] : memref<425984xi32, #tpu.memory_space<hbm>> -> memref<832xi32, #tpu.memory_space<hbm>>
      tpu.wait_dma2 semaphore(%run_scoped3A : memref<!tpu.dma_semaphore, #tpu.memory_space<semaphore_mem>>) src(%dma_wait3A_387 : memref<832xi32, #tpu.memory_space<hbm>>) dst(%arg6 : memref<832xi32, #tpu.memory_space<vmem>>)
      tpu.yield
    }) : () -> ()
    %scan3A_301 = arith.constant 0 : i32
    %scan3A_302 = arith.constant 0 : i32
    %scan3A_303 = arith.constant 52 : i32
    %scan3A_304 = arith.addi %scan3A_302, %scan3A_303 : i32
    %scan3A_305 = arith.constant 1 : i32
    scf.for %scan3A_384 = %scan3A_302 to %scan3A_304 step %scan3A_305  : i32 {
      %mul3A_385 = arith.constant 16 : i32
      %mul3A_386 = arith.muli %scan3A_384, %mul3A_385 : i32
      %get3A = arith.index_cast %mul3A_386 : i32 to index
      %get3A_387 = tpu.vector_load %arg6[%get3A] {strides = array<i32>} : memref<832xi32, #tpu.memory_space<vmem>>, vector<16xi32>,
      %get3A_388 = vector.shape_cast %get3A_387 : vector<16xi32> to vector<16xi32>
      %lt3A = arith.constant 512000 : i32
      %lt3A_389 = vector.broadcast %lt3A : i32 to vector<16xi32>
      %lt3A_390 = arith.cmpi slt, %get3A_388, %lt3A_389 : vector<16xi32>
      %add3A_391 = arith.addi %get3A_388, %get3A_388 : vector<16xi32>
      %add3A_392 = arith.addi %get3A_388, %get3A_388 : vector<16xi32>
      %sub3A = arith.constant 1023999 : i32
      %sub3A_393 = vector.broadcast %sub3A : i32 to vector<16xi32>
      %sub3A_394 = arith.subi %add3A_392, %sub3A_393 : vector<16xi32>
      %select_n3A = arith.select %lt3A_390, %add3A_391, %sub3A_394 : vector<16xi1>, vector<16xi32>
      %mul3A_395 = arith.constant 16 : i32
      %mul3A_396 = arith.muli %scan3A_384, %mul3A_395 : i32
      %swap3A = arith.index_cast %mul3A_396 : i32 to index
      %swap3A_397 = tpu.vector_load %arg6[%swap3A] {strides = array<i32>} : memref<832xi32, #tpu.memory_space<vmem>>, vector<16xi32>,
      %swap3A_398 = vector.shape_cast %swap3A_397 : vector<16xi32> to vector<16xi32>
      %swap3A_399 = vector.shape_cast %select_n3A : vector<16xi32> to vector<16xi32>
      tpu.vector_store %arg6[%swap3A], %swap3A_399 {strides = array<i32>} : memref<832xi32, #tpu.memory_space<vmem>>, vector<16xi32>,
    }
    %scan3A_306 = arith.constant 52 : i32
    %dma_start3A_307 = arith.constant 0 : i32
    %dma_start3A_308 = arith.constant 0 : i32
    %dma_start3A_309 = tpu.memref_slice %arg2[%dma_start3A_307, %dma_start3A_308] : memref<1024000x64xf32, #tpu.memory_space<hbm>> -> memref<1024000x64xf32, #tpu.memory_space<hbm>>
    tpu.enqueue_indirect_dma source(%dma_start3A_309 : memref<1024000x64xf32, #tpu.memory_space<hbm>>) target(%arg8 : memref<832x64xf32, #tpu.memory_space<vmem>>) offsets(%arg6 : memref<832xi32, #tpu.memory_space<vmem>>) semaphore(%arg10 : memref<!tpu.dma_semaphore, #tpu.memory_space<semaphore_mem>>)
    %add3A_310 = arith.constant 9984 : i32
    %add3A_311 = arith.addi %mul3A_2, %add3A_310 : i32
    %dma_wait3A_312 = arith.constant 0 : i32
    %dma_wait3A_313 = arith.constant 0 : i32
    %dma_wait3A_314 = tpu.memref_slice %arg2[%dma_wait3A_312, %dma_wait3A_313] : memref<1024000x64xf32, #tpu.memory_space<hbm>> -> memref<1024000x64xf32, #tpu.memory_space<hbm>>
    tpu.wait_indirect_dma semaphore(%arg9 : memref<!tpu.dma_semaphore, #tpu.memory_space<semaphore_mem>>) src(%dma_wait3A_314 : memref<1024000x64xf32, #tpu.memory_space<hbm>>) dst(%arg7 : memref<832x64xf32, #tpu.memory_space<vmem>>)
    %dma_start3A_315 = arith.constant 0 : i32
    %dma_start3A_316 = tpu.memref_slice %arg4[%add3A_311, %dma_start3A_315] : memref<425984x64xf32, #tpu.memory_space<hbm>> -> memref<832x64xf32, #tpu.memory_space<hbm>>
    %dma_start3A_317 = arith.constant 0 : i32
    %dma_start3A_318 = tpu.memref_slice %arg4[%add3A_311, %dma_start3A_317] : memref<425984x64xf32, #tpu.memory_space<hbm>> -> memref<832x64xf32, #tpu.memory_space<hbm>>
    tpu.enqueue_dma source(%arg7 : memref<832x64xf32, #tpu.memory_space<vmem>>) target(%dma_start3A_318 : memref<832x64xf32, #tpu.memory_space<hbm>>) target_semaphore(%arg11 : memref<!tpu.dma_semaphore, #tpu.memory_space<semaphore_mem>>)
    %add3A_319 = arith.constant 11648 : i32
    %add3A_320 = arith.addi %mul3A_2, %add3A_319 : i32
    %dma_wait3A_321 = arith.constant 0 : i32
    %dma_wait3A_322 = tpu.memref_slice %arg4[%add3A_311, %dma_wait3A_321] : memref<425984x64xf32, #tpu.memory_space<hbm>> -> memref<832x64xf32, #tpu.memory_space<hbm>>
    %dma_wait3A_323 = arith.constant 0 : i32
    %dma_wait3A_324 = tpu.memref_slice %arg4[%add3A_311, %dma_wait3A_323] : memref<425984x64xf32, #tpu.memory_space<hbm>> -> memref<832x64xf32, #tpu.memory_space<hbm>>
    tpu.wait_dma2 semaphore(%arg11 : memref<!tpu.dma_semaphore, #tpu.memory_space<semaphore_mem>>) src(%arg7 : memref<832x64xf32, #tpu.memory_space<vmem>>) dst(%dma_wait3A_324 : memref<832x64xf32, #tpu.memory_space<hbm>>)
    "tpu.region"() ({
      %run_scoped3A = tpu.sem_alloc : memref<!tpu.dma_semaphore, #tpu.memory_space<semaphore_mem>>
      %dma_start3A_384 = tpu.memref_slice %arg3[%add3A_320] : memref<425984xi32, #tpu.memory_space<hbm>> -> memref<832xi32, #tpu.memory_space<hbm>>
      %dma_start3A_385 = tpu.memref_slice %arg3[%add3A_320] : memref<425984xi32, #tpu.memory_space<hbm>> -> memref<832xi32, #tpu.memory_space<hbm>>
      tpu.enqueue_dma source(%dma_start3A_385 : memref<832xi32, #tpu.memory_space<hbm>>) target(%arg5 : memref<832xi32, #tpu.memory_space<vmem>>) target_semaphore(%run_scoped3A : memref<!tpu.dma_semaphore, #tpu.memory_space<semaphore_mem>>)
      %dma_wait3A_386 = tpu.memref_slice %arg3[%add3A_320] : memref<425984xi32, #tpu.memory_space<hbm>> -> memref<832xi32, #tpu.memory_space<hbm>>
      %dma_wait3A_387 = tpu.memref_slice %arg3[%add3A_320] : memref<425984xi32, #tpu.memory_space<hbm>> -> memref<832xi32, #tpu.memory_space<hbm>>
      tpu.wait_dma2 semaphore(%run_scoped3A : memref<!tpu.dma_semaphore, #tpu.memory_space<semaphore_mem>>) src(%dma_wait3A_387 : memref<832xi32, #tpu.memory_space<hbm>>) dst(%arg5 : memref<832xi32, #tpu.memory_space<vmem>>)
      tpu.yield
    }) : () -> ()
    %scan3A_325 = arith.constant 0 : i32
    %scan3A_326 = arith.constant 0 : i32
    %scan3A_327 = arith.constant 52 : i32
    %scan3A_328 = arith.addi %scan3A_326, %scan3A_327 : i32
    %scan3A_329 = arith.constant 1 : i32
    scf.for %scan3A_384 = %scan3A_326 to %scan3A_328 step %scan3A_329  : i32 {
      %mul3A_385 = arith.constant 16 : i32
      %mul3A_386 = arith.muli %scan3A_384, %mul3A_385 : i32
      %get3A = arith.index_cast %mul3A_386 : i32 to index
      %get3A_387 = tpu.vector_load %arg5[%get3A] {strides = array<i32>} : memref<832xi32, #tpu.memory_space<vmem>>, vector<16xi32>,
      %get3A_388 = vector.shape_cast %get3A_387 : vector<16xi32> to vector<16xi32>
      %lt3A = arith.constant 512000 : i32
      %lt3A_389 = vector.broadcast %lt3A : i32 to vector<16xi32>
      %lt3A_390 = arith.cmpi slt, %get3A_388, %lt3A_389 : vector<16xi32>
      %add3A_391 = arith.addi %get3A_388, %get3A_388 : vector<16xi32>
      %add3A_392 = arith.addi %get3A_388, %get3A_388 : vector<16xi32>
      %sub3A = arith.constant 1023999 : i32
      %sub3A_393 = vector.broadcast %sub3A : i32 to vector<16xi32>
      %sub3A_394 = arith.subi %add3A_392, %sub3A_393 : vector<16xi32>
      %select_n3A = arith.select %lt3A_390, %add3A_391, %sub3A_394 : vector<16xi1>, vector<16xi32>
      %mul3A_395 = arith.constant 16 : i32
      %mul3A_396 = arith.muli %scan3A_384, %mul3A_395 : i32
      %swap3A = arith.index_cast %mul3A_396 : i32 to index
      %swap3A_397 = tpu.vector_load %arg5[%swap3A] {strides = array<i32>} : memref<832xi32, #tpu.memory_space<vmem>>, vector<16xi32>,
      %swap3A_398 = vector.shape_cast %swap3A_397 : vector<16xi32> to vector<16xi32>
      %swap3A_399 = vector.shape_cast %select_n3A : vector<16xi32> to vector<16xi32>
      tpu.vector_store %arg5[%swap3A], %swap3A_399 {strides = array<i32>} : memref<832xi32, #tpu.memory_space<vmem>>, vector<16xi32>,
    }
    %scan3A_330 = arith.constant 52 : i32
    %dma_start3A_331 = arith.constant 0 : i32
    %dma_start3A_332 = arith.constant 0 : i32
    %dma_start3A_333 = tpu.memref_slice %arg2[%dma_start3A_331, %dma_start3A_332] : memref<1024000x64xf32, #tpu.memory_space<hbm>> -> memref<1024000x64xf32, #tpu.memory_space<hbm>>
    tpu.enqueue_indirect_dma source(%dma_start3A_333 : memref<1024000x64xf32, #tpu.memory_space<hbm>>) target(%arg7 : memref<832x64xf32, #tpu.memory_space<vmem>>) offsets(%arg5 : memref<832xi32, #tpu.memory_space<vmem>>) semaphore(%arg9 : memref<!tpu.dma_semaphore, #tpu.memory_space<semaphore_mem>>)
    %add3A_334 = arith.constant 10816 : i32
    %add3A_335 = arith.addi %mul3A_2, %add3A_334 : i32
    %dma_wait3A_336 = arith.constant 0 : i32
    %dma_wait3A_337 = arith.constant 0 : i32
    %dma_wait3A_338 = tpu.memref_slice %arg2[%dma_wait3A_336, %dma_wait3A_337] : memref<1024000x64xf32, #tpu.memory_space<hbm>> -> memref<1024000x64xf32, #tpu.memory_space<hbm>>
    tpu.wait_indirect_dma semaphore(%arg10 : memref<!tpu.dma_semaphore, #tpu.memory_space<semaphore_mem>>) src(%dma_wait3A_338 : memref<1024000x64xf32, #tpu.memory_space<hbm>>) dst(%arg8 : memref<832x64xf32, #tpu.memory_space<vmem>>)
    %dma_start3A_339 = arith.constant 0 : i32
    %dma_start3A_340 = tpu.memref_slice %arg4[%add3A_335, %dma_start3A_339] : memref<425984x64xf32, #tpu.memory_space<hbm>> -> memref<832x64xf32, #tpu.memory_space<hbm>>
    %dma_start3A_341 = arith.constant 0 : i32
    %dma_start3A_342 = tpu.memref_slice %arg4[%add3A_335, %dma_start3A_341] : memref<425984x64xf32, #tpu.memory_space<hbm>> -> memref<832x64xf32, #tpu.memory_space<hbm>>
    tpu.enqueue_dma source(%arg8 : memref<832x64xf32, #tpu.memory_space<vmem>>) target(%dma_start3A_342 : memref<832x64xf32, #tpu.memory_space<hbm>>) target_semaphore(%arg12 : memref<!tpu.dma_semaphore, #tpu.memory_space<semaphore_mem>>)
    %add3A_343 = arith.constant 12480 : i32
    %add3A_344 = arith.addi %mul3A_2, %add3A_343 : i32
    %dma_wait3A_345 = arith.constant 0 : i32
    %dma_wait3A_346 = tpu.memref_slice %arg4[%add3A_335, %dma_wait3A_345] : memref<425984x64xf32, #tpu.memory_space<hbm>> -> memref<832x64xf32, #tpu.memory_space<hbm>>
    %dma_wait3A_347 = arith.constant 0 : i32
    %dma_wait3A_348 = tpu.memref_slice %arg4[%add3A_335, %dma_wait3A_347] : memref<425984x64xf32, #tpu.memory_space<hbm>> -> memref<832x64xf32, #tpu.memory_space<hbm>>
    tpu.wait_dma2 semaphore(%arg12 : memref<!tpu.dma_semaphore, #tpu.memory_space<semaphore_mem>>) src(%arg8 : memref<832x64xf32, #tpu.memory_space<vmem>>) dst(%dma_wait3A_348 : memref<832x64xf32, #tpu.memory_space<hbm>>)
    "tpu.region"() ({
      %run_scoped3A = tpu.sem_alloc : memref<!tpu.dma_semaphore, #tpu.memory_space<semaphore_mem>>
      %dma_start3A_384 = tpu.memref_slice %arg3[%add3A_344] : memref<425984xi32, #tpu.memory_space<hbm>> -> memref<832xi32, #tpu.memory_space<hbm>>
      %dma_start3A_385 = tpu.memref_slice %arg3[%add3A_344] : memref<425984xi32, #tpu.memory_space<hbm>> -> memref<832xi32, #tpu.memory_space<hbm>>
      tpu.enqueue_dma source(%dma_start3A_385 : memref<832xi32, #tpu.memory_space<hbm>>) target(%arg6 : memref<832xi32, #tpu.memory_space<vmem>>) target_semaphore(%run_scoped3A : memref<!tpu.dma_semaphore, #tpu.memory_space<semaphore_mem>>)
      %dma_wait3A_386 = tpu.memref_slice %arg3[%add3A_344] : memref<425984xi32, #tpu.memory_space<hbm>> -> memref<832xi32, #tpu.memory_space<hbm>>
      %dma_wait3A_387 = tpu.memref_slice %arg3[%add3A_344] : memref<425984xi32, #tpu.memory_space<hbm>> -> memref<832xi32, #tpu.memory_space<hbm>>
      tpu.wait_dma2 semaphore(%run_scoped3A : memref<!tpu.dma_semaphore, #tpu.memory_space<semaphore_mem>>) src(%dma_wait3A_387 : memref<832xi32, #tpu.memory_space<hbm>>) dst(%arg6 : memref<832xi32, #tpu.memory_space<vmem>>)
      tpu.yield
    }) : () -> ()
    %scan3A_349 = arith.constant 0 : i32
    %scan3A_350 = arith.constant 0 : i32
    %scan3A_351 = arith.constant 52 : i32
    %scan3A_352 = arith.addi %scan3A_350, %scan3A_351 : i32
    %scan3A_353 = arith.constant 1 : i32
    scf.for %scan3A_384 = %scan3A_350 to %scan3A_352 step %scan3A_353  : i32 {
      %mul3A_385 = arith.constant 16 : i32
      %mul3A_386 = arith.muli %scan3A_384, %mul3A_385 : i32
      %get3A = arith.index_cast %mul3A_386 : i32 to index
      %get3A_387 = tpu.vector_load %arg6[%get3A] {strides = array<i32>} : memref<832xi32, #tpu.memory_space<vmem>>, vector<16xi32>,
      %get3A_388 = vector.shape_cast %get3A_387 : vector<16xi32> to vector<16xi32>
      %lt3A = arith.constant 512000 : i32
      %lt3A_389 = vector.broadcast %lt3A : i32 to vector<16xi32>
      %lt3A_390 = arith.cmpi slt, %get3A_388, %lt3A_389 : vector<16xi32>
      %add3A_391 = arith.addi %get3A_388, %get3A_388 : vector<16xi32>
      %add3A_392 = arith.addi %get3A_388, %get3A_388 : vector<16xi32>
      %sub3A = arith.constant 1023999 : i32
      %sub3A_393 = vector.broadcast %sub3A : i32 to vector<16xi32>
      %sub3A_394 = arith.subi %add3A_392, %sub3A_393 : vector<16xi32>
      %select_n3A = arith.select %lt3A_390, %add3A_391, %sub3A_394 : vector<16xi1>, vector<16xi32>
      %mul3A_395 = arith.constant 16 : i32
      %mul3A_396 = arith.muli %scan3A_384, %mul3A_395 : i32
      %swap3A = arith.index_cast %mul3A_396 : i32 to index
      %swap3A_397 = tpu.vector_load %arg6[%swap3A] {strides = array<i32>} : memref<832xi32, #tpu.memory_space<vmem>>, vector<16xi32>,
      %swap3A_398 = vector.shape_cast %swap3A_397 : vector<16xi32> to vector<16xi32>
      %swap3A_399 = vector.shape_cast %select_n3A : vector<16xi32> to vector<16xi32>
      tpu.vector_store %arg6[%swap3A], %swap3A_399 {strides = array<i32>} : memref<832xi32, #tpu.memory_space<vmem>>, vector<16xi32>,
    }
    %scan3A_354 = arith.constant 52 : i32
    %dma_start3A_355 = arith.constant 0 : i32
    %dma_start3A_356 = arith.constant 0 : i32
    %dma_start3A_357 = tpu.memref_slice %arg2[%dma_start3A_355, %dma_start3A_356] : memref<1024000x64xf32, #tpu.memory_space<hbm>> -> memref<1024000x64xf32, #tpu.memory_space<hbm>>
    tpu.enqueue_indirect_dma source(%dma_start3A_357 : memref<1024000x64xf32, #tpu.memory_space<hbm>>) target(%arg8 : memref<832x64xf32, #tpu.memory_space<vmem>>) offsets(%arg6 : memref<832xi32, #tpu.memory_space<vmem>>) semaphore(%arg10 : memref<!tpu.dma_semaphore, #tpu.memory_space<semaphore_mem>>)
    %add3A_358 = arith.constant 11648 : i32
    %add3A_359 = arith.addi %mul3A_2, %add3A_358 : i32
    %dma_wait3A_360 = arith.constant 0 : i32
    %dma_wait3A_361 = arith.constant 0 : i32
    %dma_wait3A_362 = tpu.memref_slice %arg2[%dma_wait3A_360, %dma_wait3A_361] : memref<1024000x64xf32, #tpu.memory_space<hbm>> -> memref<1024000x64xf32, #tpu.memory_space<hbm>>
    tpu.wait_indirect_dma semaphore(%arg9 : memref<!tpu.dma_semaphore, #tpu.memory_space<semaphore_mem>>) src(%dma_wait3A_362 : memref<1024000x64xf32, #tpu.memory_space<hbm>>) dst(%arg7 : memref<832x64xf32, #tpu.memory_space<vmem>>)
    %dma_start3A_363 = arith.constant 0 : i32
    %dma_start3A_364 = tpu.memref_slice %arg4[%add3A_359, %dma_start3A_363] : memref<425984x64xf32, #tpu.memory_space<hbm>> -> memref<832x64xf32, #tpu.memory_space<hbm>>
    %dma_start3A_365 = arith.constant 0 : i32
    %dma_start3A_366 = tpu.memref_slice %arg4[%add3A_359, %dma_start3A_365] : memref<425984x64xf32, #tpu.memory_space<hbm>> -> memref<832x64xf32, #tpu.memory_space<hbm>>
    tpu.enqueue_dma source(%arg7 : memref<832x64xf32, #tpu.memory_space<vmem>>) target(%dma_start3A_366 : memref<832x64xf32, #tpu.memory_space<hbm>>) target_semaphore(%arg11 : memref<!tpu.dma_semaphore, #tpu.memory_space<semaphore_mem>>)
    %dma_wait3A_367 = arith.constant 0 : i32
    %dma_wait3A_368 = arith.constant 0 : i32
    %dma_wait3A_369 = tpu.memref_slice %arg2[%dma_wait3A_367, %dma_wait3A_368] : memref<1024000x64xf32, #tpu.memory_space<hbm>> -> memref<1024000x64xf32, #tpu.memory_space<hbm>>
    tpu.wait_indirect_dma semaphore(%arg10 : memref<!tpu.dma_semaphore, #tpu.memory_space<semaphore_mem>>) src(%dma_wait3A_369 : memref<1024000x64xf32, #tpu.memory_space<hbm>>) dst(%arg8 : memref<832x64xf32, #tpu.memory_space<vmem>>)
    %add3A_370 = arith.constant 12480 : i32
    %add3A_371 = arith.addi %mul3A_2, %add3A_370 : i32
    %dma_start3A_372 = arith.constant 0 : i32
    %dma_start3A_373 = tpu.memref_slice %arg4[%add3A_371, %dma_start3A_372] : memref<425984x64xf32, #tpu.memory_space<hbm>> -> memref<832x64xf32, #tpu.memory_space<hbm>>
    %dma_start3A_374 = arith.constant 0 : i32
    %dma_start3A_375 = tpu.memref_slice %arg4[%add3A_371, %dma_start3A_374] : memref<425984x64xf32, #tpu.memory_space<hbm>> -> memref<832x64xf32, #tpu.memory_space<hbm>>
    tpu.enqueue_dma source(%arg8 : memref<832x64xf32, #tpu.memory_space<vmem>>) target(%dma_start3A_375 : memref<832x64xf32, #tpu.memory_space<hbm>>) target_semaphore(%arg12 : memref<!tpu.dma_semaphore, #tpu.memory_space<semaphore_mem>>)
    %dma_wait3A_376 = arith.constant 0 : i32
    %dma_wait3A_377 = tpu.memref_slice %arg4[%add3A_359, %dma_wait3A_376] : memref<425984x64xf32, #tpu.memory_space<hbm>> -> memref<832x64xf32, #tpu.memory_space<hbm>>
    %dma_wait3A_378 = arith.constant 0 : i32
    %dma_wait3A_379 = tpu.memref_slice %arg4[%add3A_359, %dma_wait3A_378] : memref<425984x64xf32, #tpu.memory_space<hbm>> -> memref<832x64xf32, #tpu.memory_space<hbm>>
    tpu.wait_dma2 semaphore(%arg11 : memref<!tpu.dma_semaphore, #tpu.memory_space<semaphore_mem>>) src(%arg7 : memref<832x64xf32, #tpu.memory_space<vmem>>) dst(%dma_wait3A_379 : memref<832x64xf32, #tpu.memory_space<hbm>>)
    %dma_wait3A_380 = arith.constant 0 : i32
    %dma_wait3A_381 = tpu.memref_slice %arg4[%add3A_371, %dma_wait3A_380] : memref<425984x64xf32, #tpu.memory_space<hbm>> -> memref<832x64xf32, #tpu.memory_space<hbm>>
    %dma_wait3A_382 = arith.constant 0 : i32
    %dma_wait3A_383 = tpu.memref_slice %arg4[%add3A_371, %dma_wait3A_382] : memref<425984x64xf32, #tpu.memory_space<hbm>> -> memref<832x64xf32, #tpu.memory_space<hbm>>
    tpu.wait_dma2 semaphore(%arg12 : memref<!tpu.dma_semaphore, #tpu.memory_space<semaphore_mem>>) src(%arg8 : memref<832x64xf32, #tpu.memory_space<vmem>>) dst(%dma_wait3A_383 : memref<832x64xf32, #tpu.memory_space<hbm>>)
    return
  }
}

module attributes {stable_mosaic.version = 14 : i64} {
  func.func @_transpose_body(%arg0: i32, %arg1: memref<64x6400xf32, #tpu.memory_space<vmem>>, %arg2: memref<64x6400xf32, #tpu.memory_space<vmem>>, %arg3: memref<6400x128xf32, #tpu.memory_space<vmem>>) attributes {dimension_semantics = [#tpu.dimension_semantics<arbitrary>], iteration_bounds = array<i64: 80>, scalar_prefetch = 0 : i64, scratch_operands = 0 : i64, tpu.core_type = #tpu.core_type<tc>, window_params = [{transform_indices = @transform_0, window_bounds = array<i64: 64, 6400>}, {transform_indices = @transform_1, window_bounds = array<i64: 64, 6400>}, {transform_indices = @transform_2, window_bounds = array<i64: 6400, 128>}]} {
    %get3A = arith.constant 0 : index
    %get3A_0 = arith.constant 0 : index
    %get3A_1 = vector.load %arg1[%get3A, %get3A_0] : memref<64x6400xf32, #tpu.memory_space<vmem>>, vector<64x6400xf32>
    %transpose3A = tpu.transpose %get3A_1, [1, 0] : vector<64x6400xf32> -> vector<6400x64xf32>
    %swap3A = arith.constant 0 : index
    %swap3A_2 = arith.constant 0 : index
    %swap3A_3 = vector.load %arg3[%swap3A, %swap3A_2] : memref<6400x128xf32, #tpu.memory_space<vmem>>, vector<6400x64xf32>
    tpu.vector_store %arg3[%swap3A, %swap3A_2], %transpose3A {strides = array<i32>} : memref<6400x128xf32, #tpu.memory_space<vmem>>, vector<6400x64xf32>,
    %get3A_4 = arith.constant 0 : index
    %get3A_5 = arith.constant 0 : index
    %get3A_6 = vector.load %arg2[%get3A_4, %get3A_5] : memref<64x6400xf32, #tpu.memory_space<vmem>>, vector<64x6400xf32>
    %transpose3A_7 = tpu.transpose %get3A_6, [1, 0] : vector<64x6400xf32> -> vector<6400x64xf32>
    %swap3A_8 = arith.constant 0 : index
    %swap3A_9 = arith.constant 64 : index
    %swap3A_10 = vector.load %arg3[%swap3A_8, %swap3A_9] : memref<6400x128xf32, #tpu.memory_space<vmem>>, vector<6400x64xf32>
    tpu.vector_store %arg3[%swap3A_8, %swap3A_9], %transpose3A_7 {strides = array<i32>} : memref<6400x128xf32, #tpu.memory_space<vmem>>, vector<6400x64xf32>,
    return
  }
  func.func @transform_0(%arg0: i32) -> (i32, i32) {
    %c0_i32 = arith.constant 0 : i32
    %c0_i32_0 = arith.constant 0 : i32
    return %c0_i32, %arg0 : i32, i32
  }
  func.func @transform_1(%arg0: i32) -> (i32, i32) {
    %add3A = arith.constant 80 : i32
    %add3A_0 = arith.addi %add3A, %arg0 : i32
    %min3A = arith.constant 156 : i32
    %min3A_1 = arith.minsi %add3A_0, %min3A : i32
    %c0_i32 = arith.constant 0 : i32
    %c0_i32_2 = arith.constant 0 : i32
    return %c0_i32, %min3A_1 : i32, i32
  }
  func.func @transform_2(%arg0: i32) -> (i32, i32) {
    %c0_i32 = arith.constant 0 : i32
    %c0_i32_0 = arith.constant 0 : i32
    return %arg0, %c0_i32 : i32, i32
  }
}

</mosaic_0001>

<sc_bundles>
// kernel: kernel.4.cloned.1.call-start
scs
__scs_entry_jumppad:
0x0: {  	(pc) =	sbr.rel $0x88, $3  }
0x1: {  	(tag) =	ssettag $0x0;
	lr =	simm.s32 $0x1  }
0x2: {  	[smem:$0x3F9F] =	sst lr;
	_ =	strace $0xD0000000  }
0x3: {  	_ = 	snop  }
0x4: {  	_ = 	snop  }
0x5: {  	_ = 	snop  }
0x6: {  	_ = 	snop  }
0x7: {  	_ = 	snop  }
__scs_overlays_trampoline_lowered:
0x8: {  	[smem:$0x3FAE] =	sst s0  }
0x9: {  	[smem:$0x3FAF] =	sst s1  }
0xa: {  	[smem:$0x3FB0] =	sst s2  }
0xb: {  	[smem:$0x3FB1] =	sst s3  }
0xc: {  	[smem:$0x3FB2] =	sst s4  }
0xd: {  	[smem:$0x3FB3] =	sst s5  }
0xe: {  	[smem:$0x3FB4] =	sst s6  }
0xf: {  	[smem:$0x3FB5] =	sst s7  }
0x10: {  	[smem:$0x3FB6] =	sst s8  }
0x11: {  	[smem:$0x3FB7] =	sst s9;
	s0 =	simm.s32 @!p0 $0x0  }
0x12: {  	s1 =	sld [smem:$0x3F9D];
	s0 =	simm.s32 @p0 $0x1  }
0x13: {  	[smem:$0x3FB8] =	sst s0;
	s0 =	simm.s32 @!p1 $0x0  }
0x14: {  	s2 =	sld [smem:$0x3F9C];
	s0 =	simm.s32 @p1 $0x1  }
0x15: {  	[smem:$0x3FB9] =	sst s0;
	s0 =	simm.s32 @!p2 $0x0  }
0x16: {  	s3 =	sld [smem:$0x3FDB];
	s0 =	simm.s32 @p2 $0x1  }
0x17: {  	s4 =	simm.s32 $0x1BF5;
	[smem:$0x3FBB] =	sst s0  }
0x18: {  	s0 =	sld [smem:$0x3F9E];
	_ =	swait.ge [sflag:s4], $0x0  }
0x19: {  	s7 =	sld [smem:$0x3F9F]  }
0x1a: {  	s8 =	sadd.s32 $0xFFFFE003, lr  }
0x1b: {  	s9 =	sadd.s32 $0xFFFFFEF7, lr;
	s5 =	simm.s32 $0xFFFFFFFF;
	p2 =	slt.u32 s8, $0xFFFFF086  }
0x1c: {  	p1 =	slt.u32 s9, $0xF7A;
	s5 =	simm.s32 @!p2 $0x0  }
0x1d: {  	s5 =	simm.s32 @p1 $0x1;
	p0 =	seq.s32 s7, s2  }
0x1e: {  	s7 =	smul.u32 @!p0 $0xF7A, s2;
	p2 =	seq.s32 @!p0 s5, $0x0  }
0x1f: {  	s9 =	smul.u32 $0xF7A, s1;
	s8 =	simm.s32 @!p0 $0x1BF5;
	p2 =	por !p2, p0  }
0x20: {  	[sflag:s8] =	ssyncset.s32 @!p0 $0xFFFFF086;
	s6 =	sadd.s32 @!p0 s3, s7;
	s7 =	simm.s32 @!p0 $0x108  }
0x21: {  	s3 =	sadd.s32 s3, s9;
	s6 =	sadd.s32 @!p0 $0x88, s6;
	s7 =	simm.s32 @p2 $0x1082  }
0x22: {  	[simem:s7], [sflag:s8] =	dma.local @!p0 [hbm:s6], $0xF7A  }
0x23: {  	s9 =	sor.u32 $0xD0000000, s2;
	s6 =	simm.s32 $0x108;
	_ =	swait.ge @!p0 [sflag:s8], $0x0  }
0x24: {  	s3 =	sadd.s32 $0x88, s3;
	s6 =	simm.s32 @!p1 $0x1082;
	[sflag:s4] =	ssyncset.s32 $0xFFFFF086  }
0x25: {  	[simem:s6], [sflag:s4] =	dma.local [hbm:s3], $0xF7A  }
0x26: {  	[smem:$0x3F9F] =	sst s1;
	(tag) =	ssettag s2;
	_ =	strace s9  }
0x27: {  	s1 =	sld [smem:$0x3FAF]  }
0x28: {  	s2 =	sld [smem:$0x3FB0]  }
0x29: {  	s4 =	sld [smem:$0x3FB2]  }
0x2a: {  	p0 =	seq.s32 s5, $0x0;
	s5 =	sld [smem:$0x3FB3]  }
0x2b: {  	s6 =	sld [smem:$0x3FB4]  }
0x2c: {  	s7 =	sld [smem:$0x3FB5]  }
0x2d: {  	s3 =	simm.s32 $0x108;
	s8 =	sld [smem:$0x3FB6]  }
0x2e: {  	s3 =	simm.s32 @!p0 $0x1082;
	s9 =	sld [smem:$0x3FB7]  }
0x2f: {  	lr =	sadd.s32 s0, s3;
	s0 =	sld [smem:$0x3FAE]  }
0x30: {  	s3 =	sld [smem:$0x3FB1]  }
0x31: {  	[smem:$0x3FBA] =	sst s10  }
0x32: {  	s10 =	sld [smem:$0x3FB8];
	_ =	sdelay $0x3  }
0x33: {  	p0 =	seq.s32 s10, $0x1;
	s10 =	sld [smem:$0x3FBA];
	_ =	sdelay $0x3  }
0x34: {  	[smem:$0x3FBA] =	sst s10  }
0x35: {  	s10 =	sld [smem:$0x3FB9];
	_ =	sdelay $0x3  }
0x36: {  	p1 =	seq.s32 s10, $0x1;
	s10 =	sld [smem:$0x3FBA];
	_ =	sdelay $0x3  }
0x37: {  	[smem:$0x3FBA] =	sst s10  }
0x38: {  	s10 =	sld [smem:$0x3FBB]  }
0x39: {  	_ = 	snop;
	(pc) =	sbr.ind lr, $3  }
0x3a: {  	_ = 	snop  }
0x3b: {  	_ = 	snop  }
0x3c: {  	p2 =	seq.s32 s10, $0x1;
	s10 =	sld [smem:$0x3FBA]  }
0x3d: {  	_ =	shalt  }
0x3e: {  	_ =	shalt  }
0x3f: {  	_ =	shalt  }
0x40: {  	_ =	shalt  }
0x41: {  	_ =	shalt  }
0x42: {  	_ =	shalt  }
0x43: {  	_ =	shalt  }
0x44: {  	_ =	shalt  }
0x45: {  	_ =	shalt  }
0x46: {  	_ =	shalt  }
0x47: {  	_ =	shalt  }
0x48: {  	_ =	shalt  }
0x49: {  	_ =	shalt  }
0x4a: {  	_ =	shalt  }
0x4b: {  	_ =	shalt  }
0x4c: {  	_ =	shalt  }
0x4d: {  	_ =	shalt  }
0x4e: {  	_ =	shalt  }
0x4f: {  	_ =	shalt  }
0x50: {  	_ =	shalt  }
0x51: {  	_ =	shalt  }
0x52: {  	_ =	shalt  }
0x53: {  	_ =	shalt  }
0x54: {  	_ =	shalt  }
0x55: {  	_ =	shalt  }
0x56: {  	_ =	shalt  }
0x57: {  	_ =	shalt  }
0x58: {  	_ =	shalt  }
0x59: {  	_ =	shalt  }
0x5a: {  	_ =	shalt  }
0x5b: {  	_ =	shalt  }
0x5c: {  	_ =	shalt  }
0x5d: {  	_ =	shalt  }
0x5e: {  	_ =	shalt  }
0x5f: {  	_ =	shalt  }
0x60: {  	_ =	shalt  }
0x61: {  	_ =	shalt  }
0x62: {  	_ =	shalt  }
0x63: {  	_ =	shalt  }
0x64: {  	_ =	shalt  }
0x65: {  	_ =	shalt  }
0x66: {  	_ =	shalt  }
0x67: {  	_ =	shalt  }
0x68: {  	_ =	shalt  }
0x69: {  	_ =	shalt  }
0x6a: {  	_ =	shalt  }
0x6b: {  	_ =	shalt  }
0x6c: {  	_ =	shalt  }
0x6d: {  	_ =	shalt  }
0x6e: {  	_ =	shalt  }
0x6f: {  	_ =	shalt  }
0x70: {  	_ =	shalt  }
0x71: {  	_ =	shalt  }
0x72: {  	_ =	shalt  }
0x73: {  	_ =	shalt  }
0x74: {  	_ =	shalt  }
0x75: {  	_ =	shalt  }
0x76: {  	_ =	shalt  }
0x77: {  	_ =	shalt  }
0x78: {  	_ =	shalt  }
0x79: {  	_ =	shalt  }
0x7a: {  	_ =	shalt  }
0x7b: {  	_ =	shalt  }
0x7c: {  	_ =	shalt  }
0x7d: {  	_ =	shalt  }
0x7e: {  	_ =	shalt  }
0x7f: {  	_ =	shalt  }
0x80: {  	_ =	shalt  }
0x81: {  	_ =	shalt  }
0x82: {  	_ =	shalt  }
0x83: {  	_ =	shalt  }
0x84: {  	_ =	shalt  }
0x85: {  	_ =	shalt  }
0x86: {  	_ =	shalt  }
0x87: {  	_ =	shalt  }
.Lfunc_end0:
.L_simem_size_0:
called_computation.1_lowered:
.L_overlay_start_0:
0x88: {  	s2 =	sld [smem:$0x3FD9]  }
0x89: {  	s3 =	sld [smem:$0x3FFE];
	_ =	sdelay $0x1  }
0x8a: {  	s1 =	srdreg.scid  }
0x8b: {  	s0 =	sand.u32 $0x1, s1  }
0x8c: {  	s17 =	sshll.u32 s0, $0xA;
	s2 =	sadd.s32 s3, s2  }
0x8d: {  	s2 =	sadd.s32 s2, s17  }
0x8e: {  	[smem:$0x3FC6] =	sst s2  }
0x8f: {  	_ = 	snop  }
0x90: {  	s2 =	sld [smem:$0x3FD0];
	(tm) =	ssettm $0x1  }
0x91: {  	s18 =	sld [smem:$0x3FFB];
	_ =	sdelay $0x3  }
0x92: {  	_ =	strace s18  }
0x93: {  	s3 =	sld [smem:$0x3FFC];
	_ =	sdelay $0x3  }
0x94: {  	_ =	strace s3  }
0x95: {  	s3 =	sld [smem:$0x3FFD];
	_ =	sdelay $0x3  }
0x96: {  	_ =	strace s3  }
0x97: {  	_ =	strace $0x8FFFFFFF  }
0x98: {  	s19 =	sld [smem:$0x3FDB];
	_ =	sdelay $0x1  }
0x99: {  	s4 =	simm.s32 $_scs_section_size  }
0x9a: {  	s5 =	simm.s32 $_size__tile_overlayer_lowered;
	s6 =	simm.s32 $_tile_overlayer_lowered  }
0x9b: {  	s22 =	simm.s32 $0x1BFF;
	s21 =	sshll.u32 s6, $0x1;
	s3 =	sadd.s32 s4, s19  }
0x9c: {  	s7 =	simm.s32 $0x0;
	s20 =	sshll.u32 s5, $0x1;
	s5 =	sadd.s32 s21, s3  }
0x9d: {  	[timem:s7], [sflag:s22] =	dma.local [hbm:s5], s20  }
0x9e: {  	_ =	swait.ge [sflag:s22], s20  }
0x9f: {  	s4 =	ssub.s32 $0x0, s20;
	[sflag:s22] =	ssyncset.done $0x0  }
0xa0: {  	[sflag:s22] =	ssyncadd.s32 s4;
	_ =	sdelay $0x1  }
0xa1: {  	s23 =	simm.s32 $0x1B8B  }
0xa2: {  	_ =	swait.ge [sflag:s23], $0x1  }
0xa3: {  	[sflag:s23] =	ssyncset.done $0x0  }
0xa4: {  	s25 =	simm.s32 $0x1B8E;
	s24 =	sld [smem:$0x3FFE];
	[sflag:s23] =	ssyncadd.s32 $0xFFFFFFFF  }
0xa5: {  	s26 =	simm.s32 $execute0_lowered;
	[smem:$0x3FD2] =	sst s25  }
0xa6: {  	s5 =	sshll.u32 s26, $0x1;
	_ =	strace $0x80000046;
	[dreg:$0x1] =	wrdreg $0xFFFFFFFF  }
0xa7: {  	s28 =	simm.s32 $_size_execute0_lowered;
	s3 =	sadd.s32 s3, s5;
	[dreg:$0x0] =	wrdreg $0x0  }
0xa8: {  	s5 =	sshll.u32 s28, $0x1;
	[dreg:$0x2] =	wrdreg s3  }
0xa9: {  	[dreg:$0x3] =	wrdreg s5  }
0xaa: {  	[dreg:$0x4] =	wrdreg $0xC0  }
0xab: {  	_ =	task [dreg:s7], $0x5FFFF  }
0xac: {  	[dreg:$0x1] =	wrdreg $0xFFFFFFFF  }
0xad: {  	[dreg:$0x0] =	wrdreg $0x60  }
0xae: {  	[dreg:$0x2] =	wrdreg s24  }
0xaf: {  	[dreg:$0x3] =	wrdreg s2  }
0xb0: {  	[dreg:$0x4] =	wrdreg $0x9  }
0xb1: {  	_ =	task.clear_ibuf [dreg:s7], $0x5FFFF;
	_ =	strace $0x90000046  }
0xb2: {  	s29 =	simm.s32 $0x9;
	_ =	strace $0x80000048  }
0xb3: {  	_ =	swait.ge [sflag:s29], $0x1  }
0xb4: {  	[sflag:s29] =	ssyncadd.s32 $0xFFFFFFFF  }
0xb5: {  	_ =	strace $0x90000048  }
0xb6: {  	_ =	sfence  }
0xb7: {  	s30 =	sld [smem:$0x0];
	_ =	sdelay $0x2  }
0xb8: {  	s31 =	sshll.u32 s1, $0xD;
	s1 =	sshrl.u32 s1, $0x2  }
0xb9: {  	s3 =	sand.u32 $0x4000, s31;
	s1 =	sadd.s32 s1, s30  }
0xba: {  	s0 =	sor.u32 s3, s0;
	s1 =	sshll.u32 s1, $0x11  }
0xbb: {  	s0 =	sor.u32 s1, s0  }
0xbc: {  	s0 =	sadd.s32 $0x8F2B, s0  }
0xbd: {  	[sflag:s0] =	ssyncadd.remote.s32 $0x1  }
0xbe: {  	_ =	sfence.sel $0xFFFF  }
0xbf: {  	[dreg:$0x0] =	wrdreg $0xFFFFFFFF;
	(pc) =	sbr.abs _section_cstart, $3  }
0xc0: {  	[dreg:$0x1] =	wrdreg $0xFFFFFFFF  }
0xc1: {  	_ =	task.clear_ibuf [dreg:s7], $0x2FFFF;
	_ =	strace $0x9FFFFFFF  }
0xc2: {  	(tm) =	ssettm $0x7FFFFFFF  }
0xc3: {  	_ =	shalt  }
tec
execute0_lowered:
.L_overlay_start_1:
0x0: {  	(tag) =	ssettag $0x1  }
0x1: {  	s0 =	srdreg.scid;
	s1 =	stileid.u32  }
0x2: {  	s0 =	sand.u32 $0x1, s0;
	s1 =	sshll.u32 s1, $0x1  }
0x3: {  	s3 =	rddreg [dreg:$0x0];
	s1 =	sor.u32 s0, s1  }
0x4: {  	s5 =	sadd.s32 $0x800, s3;
	s0 =	ssub.s32 $0x2, s0;
	s2 =	smul.u32 $0x3400, s1  }
0x5: {  	s3 =	sadd.s32 $0xD800, s3;
	s4 =	sshrl.u32 s0, $0x1;
	s18 =	smul.u32 $0x1A000, s1  }
0x6: {  	s4 =	ssub.s32 s0, s4;
	s13 =	sshrl.u32 s2, $0x3;
	s19 =	sor.u32 $0x340, s2  }
0x7: {  	s7 =	sadd.s32 $0x680, s2;
	s8 =	sadd.s32 $0x9C0, s2;
	s9 =	sadd.s32 $0x1040, s2  }
0x8: {  	s12 =	sadd.s32 $0x1380, s2;
	s30 =	sadd.s32 $0x2700, s2;
	s1 =	sadd.s32 $0x2A40, s2  }
0x9: {  	s4 =	smax.u32 s4, $0x1;
	s0 =	sadd.s32 s5, s13;
	s14 =	sshrl.u32 s19, $0x3  }
0xa: {  	s15 =	sshrl.u32 s7, $0x3;
	s16 =	sshrl.u32 s8, $0x3;
	s11 =	sshrl.u32 s9, $0x3  }
0xb: {  	s21 =	sshrl.u32 s12, $0x3;
	s19 =	sshll.u32 s19, $0x3;
	s7 =	sshll.u32 s7, $0x3  }
0xc: {  	s8 =	sshll.u32 s8, $0x3;
	[dreg:$0x3] =	wrdreg s0;
	s0 =	sadd.s32 s5, s14  }
0xd: {  	s20 =	sadd.s32 s5, s11;
	s22 =	sadd.s32 s5, s21;
	[dreg:$0x4] =	wrdreg s0  }
0xe: {  	s11 =	sadd.s32 $0x1A00, s2;
	s21 =	sshrl.u32 s1, $0x3;
	[dreg:$0x8] =	wrdreg s20  }
0xf: {  	s0 =	sadd.s32 s5, s15;
	[dreg:$0x9] =	wrdreg s22;
	s14 =	sshrl.u32 s11, $0x3  }
0x10: {  	s15 =	sadd.s32 $0x1D40, s2;
	[dreg:$0x5] =	wrdreg s0;
	s0 =	sadd.s32 s5, s16  }
0x11: {  	s24 =	sadd.s32 s5, s14;
	s25 =	sshrl.u32 s15, $0x3;
	[dreg:$0x6] =	wrdreg s0  }
0x12: {  	s14 =	sadd.s32 $0x23C0, s2;
	s0 =	sadd.s32 $0xD00, s2;
	[dreg:$0xb] =	wrdreg s24  }
0x13: {  	s26 =	sadd.s32 s5, s25;
	s25 =	sshll.u32 s9, $0x3;
	s9 =	sshll.u32 s11, $0x3  }
0x14: {  	s10 =	sshrl.u32 s0, $0x3;
	[dreg:$0xc] =	wrdreg s26;
	s0 =	sshll.u32 s0, $0x3  }
0x15: {  	s26 =	sshll.u32 s12, $0x3;
	s17 =	sadd.s32 s5, s10;
	s10 =	sadd.s32 $0x16C0, s2  }
0x16: {  	s12 =	sshll.u32 s14, $0x3;
	[dreg:$0x7] =	wrdreg s17;
	s13 =	sshrl.u32 s10, $0x3  }
0x17: {  	s17 =	sshrl.u32 s14, $0x3;
	s23 =	sadd.s32 s5, s13;
	s13 =	sadd.s32 $0x2080, s2  }
0x18: {  	s14 =	sshll.u32 s1, $0x3;
	[dreg:$0xa] =	wrdreg s23;
	s16 =	sshrl.u32 s13, $0x3  }
0x19: {  	s11 =	sshll.u32 s13, $0x3;
	s13 =	sshll.u32 s30, $0x3;
	s6 =	sadd.s32 s5, s16  }
0x1a: {  	s16 =	sadd.s32 s5, s17;
	s17 =	sshrl.u32 s30, $0x3;
	[dreg:$0xd] =	wrdreg s6  }
0x1b: {  	[dreg:$0xe] =	wrdreg s16;
	s20 =	sadd.s32 s5, s17;
	s6 =	sadd.s32 $0x2D80, s2  }
0x1c: {  	s2 =	sadd.s32 $0x30C0, s2;
	s16 =	sadd.s32 s5, s21;
	[dreg:$0xf] =	wrdreg s20  }
0x1d: {  	s17 =	simm.s32 $0x0;
	s22 =	sshrl.u32 s6, $0x3;
	[dreg:$0x10] =	wrdreg s16  }
0x1e: {  	s24 =	sshrl.u32 s2, $0x3;
	[smem:$0x7FF] =	sst s17;
	s2 =	sshll.u32 s2, $0x3  }
0x1f: {  	s23 =	sadd.s32 s5, s22;
	s16 =	sadd.s32 s5, s24;
	s5 =	rddreg [dreg:$0x1]  }
0x20: {  	[dreg:$0x11] =	wrdreg s23;
	s18 =	sadd.s32 s5, s18;
	s19 =	sadd.s32 s5, s19  }
0x21: {  	s20 =	sadd.s32 s5, s7;
	s21 =	sadd.s32 s5, s8;
	s22 =	sadd.s32 s5, s0  }
0x22: {  	s23 =	sadd.s32 s5, s25;
	s24 =	sadd.s32 s5, s26;
	s8 =	sshll.u32 s10, $0x3  }
0x23: {  	s10 =	sshll.u32 s15, $0x3;
	s26 =	sadd.s32 s5, s9;
	s29 =	sadd.s32 s5, s11  }
0x24: {  	s30 =	sadd.s32 s5, s12;
	s31 =	sadd.s32 s5, s13;
	s0 =	sadd.s32 s5, s14  }
0x25: {  	s15 =	sshll.u32 s6, $0x3;
	s2 =	sadd.s32 s5, s2;
	s6 =	simm.s32 $0x340  }
0x26: {  	s7 =	simm.s32 $0x680;
	s9 =	simm.s32 $0x1;
	s11 =	simm.s32 $0x2  }
0x27: {  	s12 =	simm.s32 $0x4;
	s13 =	simm.s32 $0x0;
	s25 =	sadd.s32 s5, s8  }
0x28: {  	s28 =	sadd.s32 s5, s10;
	s1 =	sadd.s32 s5, s15;
	_ =	strace $0x80000047  }
0x29: {  	s5 =	simm.s32 $0x5;
	s8 =	simm.s32 $0xD680;
	s10 =	simm.s32 $0x3  }
.LBB2_1:
0x2a: {  	s14 =	rddreg [dreg:$0x3]  }
0x2b: {  	[tilespmem:s17], [sflag:$0x5] =	stream.linear.gather [hbm4b:s14+s17], $0x340, $0x38;
	[tilespmem:$0x1A680] =	vst v63  }
0x2c: {  	_ =	swait.ge [sflag:s5], $0x340  }
0x2d: {  	[sflag:s5] =	ssyncset.done $0x0  }
0x2e: {  	s15 =	simm.s32 $0x40;
	s14 =	simm.s32 $0x0;
	[sflag:s5] =	ssyncadd.s32 $0xFFFFFCC0  }
.LBB2_2:
0x2f: {  	p0 =	sne.s32 s15, $0xCC0;
	v0 =	vld [tilespmem:s14+$0x0];
	_ =	sdelay $0x3  }
.Ltmp0:
0x30: {  	(pc) =	sbr.rel @p0 .LBB2_2-.Ltmp0, $4  }
0x31: {  	v1 =	vshll.u32 v0, $0x1  }
0x32: {  	vm0 =	vlt.s32 v0, $0x7D000;
	v0 =	vadd.s32 $0xFFF06001, v1  }
0x33: {  	v0 =	vsel vm0, v1, v0  }
0x34: {  	[tilespmem:s14+$0x0] =	vst v0;
	s14 =	sshra.s32 s15, $0x2;
	s15 =	sadd.s32 $0x40, s15  }
0x35: {  	v0 =	vld [tilespmem:s14+$0x0];
	_ =	sdelay $0x4  }
0x36: {  	v1 =	vshll.u32 v0, $0x1  }
0x37: {  	vm0 =	vlt.s32 v0, $0x7D000;
	v63 =	vadd.s32 $0xFFF06001, v1  }
0x38: {  	v0 =	vsel vm0, v1, v63  }
0x39: {  	[tilespmem:s14+$0x0] =	vst v0;
	s14 =	simm.s32 $0x0  }
0x3a: {  	[tilespmem:s7], [sflag:$0x1] =	stream.indirect.gather [hbm4b:s3+s6], $0x40, s14, s6, $0xb8;
	[tilespmem:$0x1A680] =	vst v63  }
0x3b: {  	s15 =	rddreg [dreg:$0x4]  }
0x3c: {  	[tilespmem:s6], [sflag:$0x5] =	stream.linear.gather [hbm4b:s15+s14], $0x340, $0x38;
	[tilespmem:$0x1A680] =	vst v63  }
0x3d: {  	_ =	swait.ge [sflag:s5], $0x340  }
0x3e: {  	[sflag:s5] =	ssyncset.done $0x0  }
0x3f: {  	s14 =	simm.s32 $0x0;
	s15 =	simm.s32 $0x40;
	[sflag:s5] =	ssyncadd.s32 $0xFFFFFCC0  }
.LBB2_4:
0x40: {  	p0 =	sne.s32 s15, $0xCC0;
	v0 =	vld [tilespmem:s14+$0x340];
	_ =	sdelay $0x3  }
.Ltmp1:
0x41: {  	(pc) =	sbr.rel @p0 .LBB2_4-.Ltmp1, $4  }
0x42: {  	v1 =	vshll.u32 v0, $0x1  }
0x43: {  	vm0 =	vlt.s32 v0, $0x7D000;
	v0 =	vadd.s32 $0xFFF06001, v1  }
0x44: {  	v0 =	vsel vm0, v1, v0  }
0x45: {  	[tilespmem:s14+$0x340] =	vst v0;
	s14 =	sshra.s32 s15, $0x2;
	s15 =	sadd.s32 $0x40, s15  }
0x46: {  	v0 =	vld [tilespmem:s14+$0x340];
	_ =	sdelay $0x4  }
0x47: {  	v1 =	vshll.u32 v0, $0x1  }
0x48: {  	vm0 =	vlt.s32 v0, $0x7D000;
	v63 =	vadd.s32 $0xFFF06001, v1  }
0x49: {  	v0 =	vsel vm0, v1, v63  }
0x4a: {  	[tilespmem:s14+$0x340] =	vst v0  }
0x4b: {  	[tilespmem:s8], [sflag:$0x2] =	stream.indirect.gather [hbm4b:s3+s6], $0x40, s6, s6, $0xb8;
	[tilespmem:$0x1A680] =	vst v63  }
0x4c: {  	_ =	swait.ge [sflag:s9], $0xD000  }
0x4d: {  	[sflag:s9] =	ssyncset.done $0x0  }
0x4e: {  	s14 =	simm.s32 $0x0;
	[sflag:s9] =	ssyncadd.s32 $0xFFFF3000  }
0x4f: {  	[hbm4b:s18+s14] =	stream.linear.scatter [tilespmem:s7], [sflag:$0x3], $0xD000, $0x38;
	[tilespmem:$0x1A680] =	vst v63  }
0x50: {  	_ =	swait.ge [sflag:s10], $0xD000  }
0x51: {  	[sflag:s10] =	ssyncset.done $0x0  }
0x52: {  	s15 =	rddreg [dreg:$0x5];
	[sflag:s10] =	ssyncadd.s32 $0xFFFF3000  }
0x53: {  	[tilespmem:s14], [sflag:$0x5] =	stream.linear.gather [hbm4b:s15+s14], $0x340, $0x38;
	[tilespmem:$0x1A680] =	vst v63  }
0x54: {  	_ =	swait.ge [sflag:s5], $0x340  }
0x55: {  	[sflag:s5] =	ssyncset.done $0x0  }
0x56: {  	s14 =	simm.s32 $0x0;
	s15 =	simm.s32 $0x40;
	[sflag:s5] =	ssyncadd.s32 $0xFFFFFCC0  }
.LBB2_6:
0x57: {  	p0 =	sne.s32 s15, $0xCC0;
	v0 =	vld [tilespmem:s14+$0x0];
	_ =	sdelay $0x3  }
.Ltmp2:
0x58: {  	(pc) =	sbr.rel @p0 .LBB2_6-.Ltmp2, $4  }
0x59: {  	v1 =	vshll.u32 v0, $0x1  }
0x5a: {  	vm0 =	vlt.s32 v0, $0x7D000;
	v0 =	vadd.s32 $0xFFF06001, v1  }
0x5b: {  	v0 =	vsel vm0, v1, v0  }
0x5c: {  	[tilespmem:s14+$0x0] =	vst v0;
	s14 =	sshra.s32 s15, $0x2;
	s15 =	sadd.s32 $0x40, s15  }
0x5d: {  	v0 =	vld [tilespmem:s14+$0x0];
	_ =	sdelay $0x4  }
0x5e: {  	v1 =	vshll.u32 v0, $0x1  }
0x5f: {  	vm0 =	vlt.s32 v0, $0x7D000;
	v63 =	vadd.s32 $0xFFF06001, v1  }
0x60: {  	v0 =	vsel vm0, v1, v63  }
0x61: {  	[tilespmem:s14+$0x0] =	vst v0;
	s14 =	simm.s32 $0x0  }
0x62: {  	[tilespmem:s7], [sflag:$0x1] =	stream.indirect.gather [hbm4b:s3+s6], $0x40, s14, s6, $0xb8;
	[tilespmem:$0x1A680] =	vst v63  }
0x63: {  	_ =	swait.ge [sflag:s11], $0xD000  }
0x64: {  	[sflag:s11] =	ssyncset.done $0x0  }
0x65: {  	[sflag:s11] =	ssyncadd.s32 $0xFFFF3000  }
0x66: {  	[hbm4b:s19+s14] =	stream.linear.scatter [tilespmem:s8], [sflag:$0x4], $0xD000, $0x38;
	[tilespmem:$0x1A680] =	vst v63  }
0x67: {  	_ =	swait.ge [sflag:s12], $0xD000  }
0x68: {  	[sflag:s12] =	ssyncset.done $0x0  }
0x69: {  	s15 =	rddreg [dreg:$0x6];
	[sflag:s12] =	ssyncadd.s32 $0xFFFF3000  }
0x6a: {  	[tilespmem:s6], [sflag:$0x5] =	stream.linear.gather [hbm4b:s15+s14], $0x340, $0x38;
	[tilespmem:$0x1A680] =	vst v63  }
0x6b: {  	_ =	swait.ge [sflag:s5], $0x340  }
0x6c: {  	[sflag:s5] =	ssyncset.done $0x0  }
0x6d: {  	s14 =	simm.s32 $0x0;
	s15 =	simm.s32 $0x40;
	[sflag:s5] =	ssyncadd.s32 $0xFFFFFCC0  }
.LBB2_8:
0x6e: {  	p0 =	sne.s32 s15, $0xCC0;
	v0 =	vld [tilespmem:s14+$0x340];
	_ =	sdelay $0x3  }
.Ltmp3:
0x6f: {  	(pc) =	sbr.rel @p0 .LBB2_8-.Ltmp3, $4  }
0x70: {  	v1 =	vshll.u32 v0, $0x1  }
0x71: {  	vm0 =	vlt.s32 v0, $0x7D000;
	v0 =	vadd.s32 $0xFFF06001, v1  }
0x72: {  	v0 =	vsel vm0, v1, v0  }
0x73: {  	[tilespmem:s14+$0x340] =	vst v0;
	s14 =	sshra.s32 s15, $0x2;
	s15 =	sadd.s32 $0x40, s15  }
0x74: {  	v0 =	vld [tilespmem:s14+$0x340];
	_ =	sdelay $0x4  }
0x75: {  	v1 =	vshll.u32 v0, $0x1  }
0x76: {  	vm0 =	vlt.s32 v0, $0x7D000;
	v63 =	vadd.s32 $0xFFF06001, v1  }
0x77: {  	v0 =	vsel vm0, v1, v63  }
0x78: {  	[tilespmem:s14+$0x340] =	vst v0  }
0x79: {  	[tilespmem:s8], [sflag:$0x2] =	stream.indirect.gather [hbm4b:s3+s6], $0x40, s6, s6, $0xb8;
	[tilespmem:$0x1A680] =	vst v63  }
0x7a: {  	_ =	swait.ge [sflag:s9], $0xD000  }
0x7b: {  	[sflag:s9] =	ssyncset.done $0x0  }
0x7c: {  	s14 =	simm.s32 $0x0;
	[sflag:s9] =	ssyncadd.s32 $0xFFFF3000  }
0x7d: {  	[hbm4b:s20+s14] =	stream.linear.scatter [tilespmem:s7], [sflag:$0x3], $0xD000, $0x38;
	[tilespmem:$0x1A680] =	vst v63  }
0x7e: {  	_ =	swait.ge [sflag:s10], $0xD000  }
0x7f: {  	[sflag:s10] =	ssyncset.done $0x0  }
0x80: {  	s15 =	rddreg [dreg:$0x7];
	[sflag:s10] =	ssyncadd.s32 $0xFFFF3000  }
0x81: {  	[tilespmem:s14], [sflag:$0x5] =	stream.linear.gather [hbm4b:s15+s14], $0x340, $0x38;
	[tilespmem:$0x1A680] =	vst v63  }
0x82: {  	_ =	swait.ge [sflag:s5], $0x340  }
0x83: {  	[sflag:s5] =	ssyncset.done $0x0  }
0x84: {  	s14 =	simm.s32 $0x0;
	s15 =	simm.s32 $0x40;
	[sflag:s5] =	ssyncadd.s32 $0xFFFFFCC0  }
.LBB2_10:
0x85: {  	p0 =	sne.s32 s15, $0xCC0;
	v0 =	vld [tilespmem:s14+$0x0];
	_ =	sdelay $0x3  }
.Ltmp4:
0x86: {  	(pc) =	sbr.rel @p0 .LBB2_10-.Ltmp4, $4  }
0x87: {  	v1 =	vshll.u32 v0, $0x1  }
0x88: {  	vm0 =	vlt.s32 v0, $0x7D000;
	v0 =	vadd.s32 $0xFFF06001, v1  }
0x89: {  	v0 =	vsel vm0, v1, v0  }
0x8a: {  	[tilespmem:s14+$0x0] =	vst v0;
	s14 =	sshra.s32 s15, $0x2;
	s15 =	sadd.s32 $0x40, s15  }
0x8b: {  	v0 =	vld [tilespmem:s14+$0x0];
	_ =	sdelay $0x4  }
0x8c: {  	v1 =	vshll.u32 v0, $0x1  }
0x8d: {  	vm0 =	vlt.s32 v0, $0x7D000;
	v63 =	vadd.s32 $0xFFF06001, v1  }
0x8e: {  	v0 =	vsel vm0, v1, v63  }
0x8f: {  	[tilespmem:s14+$0x0] =	vst v0;
	s14 =	simm.s32 $0x0  }
0x90: {  	[tilespmem:s7], [sflag:$0x1] =	stream.indirect.gather [hbm4b:s3+s6], $0x40, s14, s6, $0xb8;
	[tilespmem:$0x1A680] =	vst v63  }
0x91: {  	_ =	swait.ge [sflag:s11], $0xD000  }
0x92: {  	[sflag:s11] =	ssyncset.done $0x0  }
0x93: {  	[sflag:s11] =	ssyncadd.s32 $0xFFFF3000  }
0x94: {  	[hbm4b:s21+s14] =	stream.linear.scatter [tilespmem:s8], [sflag:$0x4], $0xD000, $0x38;
	[tilespmem:$0x1A680] =	vst v63  }
0x95: {  	_ =	swait.ge [sflag:s12], $0xD000  }
0x96: {  	[sflag:s12] =	ssyncset.done $0x0  }
0x97: {  	s15 =	rddreg [dreg:$0x8];
	[sflag:s12] =	ssyncadd.s32 $0xFFFF3000  }
0x98: {  	[tilespmem:s6], [sflag:$0x5] =	stream.linear.gather [hbm4b:s15+s14], $0x340, $0x38;
	[tilespmem:$0x1A680] =	vst v63  }
0x99: {  	_ =	swait.ge [sflag:s5], $0x340  }
0x9a: {  	[sflag:s5] =	ssyncset.done $0x0  }
0x9b: {  	s14 =	simm.s32 $0x0;
	s15 =	simm.s32 $0x40;
	[sflag:s5] =	ssyncadd.s32 $0xFFFFFCC0  }
.LBB2_12:
0x9c: {  	p0 =	sne.s32 s15, $0xCC0;
	v0 =	vld [tilespmem:s14+$0x340];
	_ =	sdelay $0x3  }
.Ltmp5:
0x9d: {  	(pc) =	sbr.rel @p0 .LBB2_12-.Ltmp5, $4  }
0x9e: {  	v1 =	vshll.u32 v0, $0x1  }
0x9f: {  	vm0 =	vlt.s32 v0, $0x7D000;
	v0 =	vadd.s32 $0xFFF06001, v1  }
0xa0: {  	v0 =	vsel vm0, v1, v0  }
0xa1: {  	[tilespmem:s14+$0x340] =	vst v0;
	s14 =	sshra.s32 s15, $0x2;
	s15 =	sadd.s32 $0x40, s15  }
0xa2: {  	v0 =	vld [tilespmem:s14+$0x340];
	_ =	sdelay $0x4  }
0xa3: {  	v1 =	vshll.u32 v0, $0x1  }
0xa4: {  	vm0 =	vlt.s32 v0, $0x7D000;
	v63 =	vadd.s32 $0xFFF06001, v1  }
0xa5: {  	v0 =	vsel vm0, v1, v63  }
0xa6: {  	[tilespmem:s14+$0x340] =	vst v0  }
0xa7: {  	[tilespmem:s8], [sflag:$0x2] =	stream.indirect.gather [hbm4b:s3+s6], $0x40, s6, s6, $0xb8;
	[tilespmem:$0x1A680] =	vst v63  }
0xa8: {  	_ =	swait.ge [sflag:s9], $0xD000  }
0xa9: {  	[sflag:s9] =	ssyncset.done $0x0  }
0xaa: {  	s14 =	simm.s32 $0x0;
	[sflag:s9] =	ssyncadd.s32 $0xFFFF3000  }
0xab: {  	[hbm4b:s22+s14] =	stream.linear.scatter [tilespmem:s7], [sflag:$0x3], $0xD000, $0x38;
	[tilespmem:$0x1A680] =	vst v63  }
0xac: {  	_ =	swait.ge [sflag:s10], $0xD000  }
0xad: {  	[sflag:s10] =	ssyncset.done $0x0  }
0xae: {  	s15 =	rddreg [dreg:$0x9];
	[sflag:s10] =	ssyncadd.s32 $0xFFFF3000  }
0xaf: {  	[tilespmem:s14], [sflag:$0x5] =	stream.linear.gather [hbm4b:s15+s14], $0x340, $0x38;
	[tilespmem:$0x1A680] =	vst v63  }
0xb0: {  	_ =	swait.ge [sflag:s5], $0x340  }
0xb1: {  	[sflag:s5] =	ssyncset.done $0x0  }
0xb2: {  	s14 =	simm.s32 $0x0;
	s15 =	simm.s32 $0x40;
	[sflag:s5] =	ssyncadd.s32 $0xFFFFFCC0  }
.LBB2_14:
0xb3: {  	p0 =	sne.s32 s15, $0xCC0;
	v0 =	vld [tilespmem:s14+$0x0];
	_ =	sdelay $0x3  }
.Ltmp6:
0xb4: {  	(pc) =	sbr.rel @p0 .LBB2_14-.Ltmp6, $4  }
0xb5: {  	v1 =	vshll.u32 v0, $0x1  }
0xb6: {  	vm0 =	vlt.s32 v0, $0x7D000;
	v0 =	vadd.s32 $0xFFF06001, v1  }
0xb7: {  	v0 =	vsel vm0, v1, v0  }
0xb8: {  	[tilespmem:s14+$0x0] =	vst v0;
	s14 =	sshra.s32 s15, $0x2;
	s15 =	sadd.s32 $0x40, s15  }
0xb9: {  	v0 =	vld [tilespmem:s14+$0x0];
	_ =	sdelay $0x4  }
0xba: {  	v1 =	vshll.u32 v0, $0x1  }
0xbb: {  	vm0 =	vlt.s32 v0, $0x7D000;
	v63 =	vadd.s32 $0xFFF06001, v1  }
0xbc: {  	v0 =	vsel vm0, v1, v63  }
0xbd: {  	[tilespmem:s14+$0x0] =	vst v0;
	s14 =	simm.s32 $0x0  }
0xbe: {  	[tilespmem:s7], [sflag:$0x1] =	stream.indirect.gather [hbm4b:s3+s6], $0x40, s14, s6, $0xb8;
	[tilespmem:$0x1A680] =	vst v63  }
0xbf: {  	_ =	swait.ge [sflag:s11], $0xD000  }
0xc0: {  	[sflag:s11] =	ssyncset.done $0x0  }
0xc1: {  	[sflag:s11] =	ssyncadd.s32 $0xFFFF3000  }
0xc2: {  	[hbm4b:s23+s14] =	stream.linear.scatter [tilespmem:s8], [sflag:$0x4], $0xD000, $0x38;
	[tilespmem:$0x1A680] =	vst v63  }
0xc3: {  	_ =	swait.ge [sflag:s12], $0xD000  }
0xc4: {  	[sflag:s12] =	ssyncset.done $0x0  }
0xc5: {  	s15 =	rddreg [dreg:$0xa];
	[sflag:s12] =	ssyncadd.s32 $0xFFFF3000  }
0xc6: {  	[tilespmem:s6], [sflag:$0x5] =	stream.linear.gather [hbm4b:s15+s14], $0x340, $0x38;
	[tilespmem:$0x1A680] =	vst v63  }
0xc7: {  	_ =	swait.ge [sflag:s5], $0x340  }
0xc8: {  	[sflag:s5] =	ssyncset.done $0x0  }
0xc9: {  	s14 =	simm.s32 $0x0;
	s15 =	simm.s32 $0x40;
	[sflag:s5] =	ssyncadd.s32 $0xFFFFFCC0  }
.LBB2_16:
0xca: {  	p0 =	sne.s32 s15, $0xCC0;
	v0 =	vld [tilespmem:s14+$0x340];
	_ =	sdelay $0x3  }
.Ltmp7:
0xcb: {  	(pc) =	sbr.rel @p0 .LBB2_16-.Ltmp7, $4  }
0xcc: {  	v1 =	vshll.u32 v0, $0x1  }
0xcd: {  	vm0 =	vlt.s32 v0, $0x7D000;
	v0 =	vadd.s32 $0xFFF06001, v1  }
0xce: {  	v0 =	vsel vm0, v1, v0  }
0xcf: {  	[tilespmem:s14+$0x340] =	vst v0;
	s14 =	sshra.s32 s15, $0x2;
	s15 =	sadd.s32 $0x40, s15  }
0xd0: {  	v0 =	vld [tilespmem:s14+$0x340];
	_ =	sdelay $0x4  }
0xd1: {  	v1 =	vshll.u32 v0, $0x1  }
0xd2: {  	vm0 =	vlt.s32 v0, $0x7D000;
	v63 =	vadd.s32 $0xFFF06001, v1  }
0xd3: {  	v0 =	vsel vm0, v1, v63  }
0xd4: {  	[tilespmem:s14+$0x340] =	vst v0  }
0xd5: {  	[tilespmem:s8], [sflag:$0x2] =	stream.indirect.gather [hbm4b:s3+s6], $0x40, s6, s6, $0xb8;
	[tilespmem:$0x1A680] =	vst v63  }
0xd6: {  	_ =	swait.ge [sflag:s9], $0xD000  }
0xd7: {  	[sflag:s9] =	ssyncset.done $0x0  }
0xd8: {  	s14 =	simm.s32 $0x0;
	[sflag:s9] =	ssyncadd.s32 $0xFFFF3000  }
0xd9: {  	[hbm4b:s24+s14] =	stream.linear.scatter [tilespmem:s7], [sflag:$0x3], $0xD000, $0x38;
	[tilespmem:$0x1A680] =	vst v63  }
0xda: {  	_ =	swait.ge [sflag:s10], $0xD000  }
0xdb: {  	[sflag:s10] =	ssyncset.done $0x0  }
0xdc: {  	s15 =	rddreg [dreg:$0xb];
	[sflag:s10] =	ssyncadd.s32 $0xFFFF3000  }
0xdd: {  	[tilespmem:s14], [sflag:$0x5] =	stream.linear.gather [hbm4b:s15+s14], $0x340, $0x38;
	[tilespmem:$0x1A680] =	vst v63  }
0xde: {  	_ =	swait.ge [sflag:s5], $0x340  }
0xdf: {  	[sflag:s5] =	ssyncset.done $0x0  }
0xe0: {  	s14 =	simm.s32 $0x0;
	s15 =	simm.s32 $0x40;
	[sflag:s5] =	ssyncadd.s32 $0xFFFFFCC0  }
.LBB2_18:
0xe1: {  	p0 =	sne.s32 s15, $0xCC0;
	v0 =	vld [tilespmem:s14+$0x0];
	_ =	sdelay $0x3  }
.Ltmp8:
0xe2: {  	(pc) =	sbr.rel @p0 .LBB2_18-.Ltmp8, $4  }
0xe3: {  	v1 =	vshll.u32 v0, $0x1  }
0xe4: {  	vm0 =	vlt.s32 v0, $0x7D000;
	v0 =	vadd.s32 $0xFFF06001, v1  }
0xe5: {  	v0 =	vsel vm0, v1, v0  }
0xe6: {  	[tilespmem:s14+$0x0] =	vst v0;
	s14 =	sshra.s32 s15, $0x2;
	s15 =	sadd.s32 $0x40, s15  }
0xe7: {  	v0 =	vld [tilespmem:s14+$0x0];
	_ =	sdelay $0x4  }
0xe8: {  	v1 =	vshll.u32 v0, $0x1  }
0xe9: {  	vm0 =	vlt.s32 v0, $0x7D000;
	v63 =	vadd.s32 $0xFFF06001, v1  }
0xea: {  	v0 =	vsel vm0, v1, v63  }
0xeb: {  	[tilespmem:s14+$0x0] =	vst v0;
	s14 =	simm.s32 $0x0  }
0xec: {  	[tilespmem:s7], [sflag:$0x1] =	stream.indirect.gather [hbm4b:s3+s6], $0x40, s14, s6, $0xb8;
	[tilespmem:$0x1A680] =	vst v63  }
0xed: {  	_ =	swait.ge [sflag:s11], $0xD000  }
0xee: {  	[sflag:s11] =	ssyncset.done $0x0  }
0xef: {  	[sflag:s11] =	ssyncadd.s32 $0xFFFF3000  }
0xf0: {  	[hbm4b:s25+s14] =	stream.linear.scatter [tilespmem:s8], [sflag:$0x4], $0xD000, $0x38;
	[tilespmem:$0x1A680] =	vst v63  }
0xf1: {  	_ =	swait.ge [sflag:s12], $0xD000  }
0xf2: {  	[sflag:s12] =	ssyncset.done $0x0  }
0xf3: {  	s15 =	rddreg [dreg:$0xc];
	[sflag:s12] =	ssyncadd.s32 $0xFFFF3000  }
0xf4: {  	[tilespmem:s6], [sflag:$0x5] =	stream.linear.gather [hbm4b:s15+s14], $0x340, $0x38;
	[tilespmem:$0x1A680] =	vst v63  }
0xf5: {  	_ =	swait.ge [sflag:s5], $0x340  }
0xf6: {  	[sflag:s5] =	ssyncset.done $0x0  }
0xf7: {  	s14 =	simm.s32 $0x0;
	s15 =	simm.s32 $0x40;
	[sflag:s5] =	ssyncadd.s32 $0xFFFFFCC0  }
.LBB2_20:
0xf8: {  	p0 =	sne.s32 s15, $0xCC0;
	v0 =	vld [tilespmem:s14+$0x340];
	_ =	sdelay $0x3  }
.Ltmp9:
0xf9: {  	(pc) =	sbr.rel @p0 .LBB2_20-.Ltmp9, $4  }
0xfa: {  	v1 =	vshll.u32 v0, $0x1  }
0xfb: {  	vm0 =	vlt.s32 v0, $0x7D000;
	v0 =	vadd.s32 $0xFFF06001, v1  }
0xfc: {  	v0 =	vsel vm0, v1, v0  }
0xfd: {  	[tilespmem:s14+$0x340] =	vst v0;
	s14 =	sshra.s32 s15, $0x2;
	s15 =	sadd.s32 $0x40, s15  }
0xfe: {  	v0 =	vld [tilespmem:s14+$0x340];
	_ =	sdelay $0x4  }
0xff: {  	v1 =	vshll.u32 v0, $0x1  }
0x100: {  	vm0 =	vlt.s32 v0, $0x7D000;
	v63 =	vadd.s32 $0xFFF06001, v1  }
0x101: {  	v0 =	vsel vm0, v1, v63  }
0x102: {  	[tilespmem:s14+$0x340] =	vst v0  }
0x103: {  	[tilespmem:s8], [sflag:$0x2] =	stream.indirect.gather [hbm4b:s3+s6], $0x40, s6, s6, $0xb8;
	[tilespmem:$0x1A680] =	vst v63  }
0x104: {  	_ =	swait.ge [sflag:s9], $0xD000  }
0x105: {  	[sflag:s9] =	ssyncset.done $0x0  }
0x106: {  	s14 =	simm.s32 $0x0;
	[sflag:s9] =	ssyncadd.s32 $0xFFFF3000  }
0x107: {  	[hbm4b:s26+s14] =	stream.linear.scatter [tilespmem:s7], [sflag:$0x3], $0xD000, $0x38;
	[tilespmem:$0x1A680] =	vst v63  }
0x108: {  	_ =	swait.ge [sflag:s10], $0xD000  }
0x109: {  	[sflag:s10] =	ssyncset.done $0x0  }
0x10a: {  	s15 =	rddreg [dreg:$0xd];
	[sflag:s10] =	ssyncadd.s32 $0xFFFF3000  }
0x10b: {  	[tilespmem:s14], [sflag:$0x5] =	stream.linear.gather [hbm4b:s15+s14], $0x340, $0x38;
	[tilespmem:$0x1A680] =	vst v63  }
0x10c: {  	_ =	swait.ge [sflag:s5], $0x340  }
0x10d: {  	[sflag:s5] =	ssyncset.done $0x0  }
0x10e: {  	s14 =	simm.s32 $0x0;
	s15 =	simm.s32 $0x40;
	[sflag:s5] =	ssyncadd.s32 $0xFFFFFCC0  }
.LBB2_22:
0x10f: {  	p0 =	sne.s32 s15, $0xCC0;
	v0 =	vld [tilespmem:s14+$0x0];
	_ =	sdelay $0x3  }
.Ltmp10:
0x110: {  	(pc) =	sbr.rel @p0 .LBB2_22-.Ltmp10, $4  }
0x111: {  	v1 =	vshll.u32 v0, $0x1  }
0x112: {  	vm0 =	vlt.s32 v0, $0x7D000;
	v0 =	vadd.s32 $0xFFF06001, v1  }
0x113: {  	v0 =	vsel vm0, v1, v0  }
0x114: {  	[tilespmem:s14+$0x0] =	vst v0;
	s14 =	sshra.s32 s15, $0x2;
	s15 =	sadd.s32 $0x40, s15  }
0x115: {  	v0 =	vld [tilespmem:s14+$0x0];
	_ =	sdelay $0x4  }
0x116: {  	v1 =	vshll.u32 v0, $0x1  }
0x117: {  	vm0 =	vlt.s32 v0, $0x7D000;
	v63 =	vadd.s32 $0xFFF06001, v1  }
0x118: {  	v0 =	vsel vm0, v1, v63  }
0x119: {  	[tilespmem:s14+$0x0] =	vst v0;
	s14 =	simm.s32 $0x0  }
0x11a: {  	[tilespmem:s7], [sflag:$0x1] =	stream.indirect.gather [hbm4b:s3+s6], $0x40, s14, s6, $0xb8;
	[tilespmem:$0x1A680] =	vst v63  }
0x11b: {  	_ =	swait.ge [sflag:s11], $0xD000  }
0x11c: {  	[sflag:s11] =	ssyncset.done $0x0  }
0x11d: {  	[sflag:s11] =	ssyncadd.s32 $0xFFFF3000  }
0x11e: {  	[hbm4b:s28+s14] =	stream.linear.scatter [tilespmem:s8], [sflag:$0x4], $0xD000, $0x38;
	[tilespmem:$0x1A680] =	vst v63  }
0x11f: {  	_ =	swait.ge [sflag:s12], $0xD000  }
0x120: {  	[sflag:s12] =	ssyncset.done $0x0  }
0x121: {  	s15 =	rddreg [dreg:$0xe];
	[sflag:s12] =	ssyncadd.s32 $0xFFFF3000  }
0x122: {  	[tilespmem:s6], [sflag:$0x5] =	stream.linear.gather [hbm4b:s15+s14], $0x340, $0x38;
	[tilespmem:$0x1A680] =	vst v63  }
0x123: {  	_ =	swait.ge [sflag:s5], $0x340  }
0x124: {  	[sflag:s5] =	ssyncset.done $0x0  }
0x125: {  	s14 =	simm.s32 $0x0;
	s15 =	simm.s32 $0x40;
	[sflag:s5] =	ssyncadd.s32 $0xFFFFFCC0  }
.LBB2_24:
0x126: {  	p0 =	sne.s32 s15, $0xCC0;
	v0 =	vld [tilespmem:s14+$0x340];
	_ =	sdelay $0x3  }
.Ltmp11:
0x127: {  	(pc) =	sbr.rel @p0 .LBB2_24-.Ltmp11, $4  }
0x128: {  	v1 =	vshll.u32 v0, $0x1  }
0x129: {  	vm0 =	vlt.s32 v0, $0x7D000;
	v0 =	vadd.s32 $0xFFF06001, v1  }
0x12a: {  	v0 =	vsel vm0, v1, v0  }
0x12b: {  	[tilespmem:s14+$0x340] =	vst v0;
	s14 =	sshra.s32 s15, $0x2;
	s15 =	sadd.s32 $0x40, s15  }
0x12c: {  	v0 =	vld [tilespmem:s14+$0x340];
	_ =	sdelay $0x4  }
0x12d: {  	v1 =	vshll.u32 v0, $0x1  }
0x12e: {  	vm0 =	vlt.s32 v0, $0x7D000;
	v63 =	vadd.s32 $0xFFF06001, v1  }
0x12f: {  	v0 =	vsel vm0, v1, v63  }
0x130: {  	[tilespmem:s14+$0x340] =	vst v0  }
0x131: {  	[tilespmem:s8], [sflag:$0x2] =	stream.indirect.gather [hbm4b:s3+s6], $0x40, s6, s6, $0xb8;
	[tilespmem:$0x1A680] =	vst v63  }
0x132: {  	_ =	swait.ge [sflag:s9], $0xD000  }
0x133: {  	[sflag:s9] =	ssyncset.done $0x0  }
0x134: {  	s14 =	simm.s32 $0x0;
	[sflag:s9] =	ssyncadd.s32 $0xFFFF3000  }
0x135: {  	[hbm4b:s29+s14] =	stream.linear.scatter [tilespmem:s7], [sflag:$0x3], $0xD000, $0x38;
	[tilespmem:$0x1A680] =	vst v63  }
0x136: {  	_ =	swait.ge [sflag:s10], $0xD000  }
0x137: {  	[sflag:s10] =	ssyncset.done $0x0  }
0x138: {  	s15 =	rddreg [dreg:$0xf];
	[sflag:s10] =	ssyncadd.s32 $0xFFFF3000  }
0x139: {  	[tilespmem:s14], [sflag:$0x5] =	stream.linear.gather [hbm4b:s15+s14], $0x340, $0x38;
	[tilespmem:$0x1A680] =	vst v63  }
0x13a: {  	_ =	swait.ge [sflag:s5], $0x340  }
0x13b: {  	[sflag:s5] =	ssyncset.done $0x0  }
0x13c: {  	s14 =	simm.s32 $0x0;
	s15 =	simm.s32 $0x40;
	[sflag:s5] =	ssyncadd.s32 $0xFFFFFCC0  }
.LBB2_26:
0x13d: {  	p0 =	sne.s32 s15, $0xCC0;
	v0 =	vld [tilespmem:s14+$0x0];
	_ =	sdelay $0x3  }
.Ltmp12:
0x13e: {  	(pc) =	sbr.rel @p0 .LBB2_26-.Ltmp12, $4  }
0x13f: {  	v1 =	vshll.u32 v0, $0x1  }
0x140: {  	vm0 =	vlt.s32 v0, $0x7D000;
	v0 =	vadd.s32 $0xFFF06001, v1  }
0x141: {  	v0 =	vsel vm0, v1, v0  }
0x142: {  	[tilespmem:s14+$0x0] =	vst v0;
	s14 =	sshra.s32 s15, $0x2;
	s15 =	sadd.s32 $0x40, s15  }
0x143: {  	v0 =	vld [tilespmem:s14+$0x0];
	_ =	sdelay $0x4  }
0x144: {  	v1 =	vshll.u32 v0, $0x1  }
0x145: {  	vm0 =	vlt.s32 v0, $0x7D000;
	v63 =	vadd.s32 $0xFFF06001, v1  }
0x146: {  	v0 =	vsel vm0, v1, v63  }
0x147: {  	[tilespmem:s14+$0x0] =	vst v0;
	s14 =	simm.s32 $0x0  }
0x148: {  	[tilespmem:s7], [sflag:$0x1] =	stream.indirect.gather [hbm4b:s3+s6], $0x40, s14, s6, $0xb8;
	[tilespmem:$0x1A680] =	vst v63  }
0x149: {  	_ =	swait.ge [sflag:s11], $0xD000  }
0x14a: {  	[sflag:s11] =	ssyncset.done $0x0  }
0x14b: {  	[sflag:s11] =	ssyncadd.s32 $0xFFFF3000  }
0x14c: {  	[hbm4b:s30+s14] =	stream.linear.scatter [tilespmem:s8], [sflag:$0x4], $0xD000, $0x38;
	[tilespmem:$0x1A680] =	vst v63  }
0x14d: {  	_ =	swait.ge [sflag:s12], $0xD000  }
0x14e: {  	[sflag:s12] =	ssyncset.done $0x0  }
0x14f: {  	s15 =	rddreg [dreg:$0x10];
	[sflag:s12] =	ssyncadd.s32 $0xFFFF3000  }
0x150: {  	[tilespmem:s6], [sflag:$0x5] =	stream.linear.gather [hbm4b:s15+s14], $0x340, $0x38;
	[tilespmem:$0x1A680] =	vst v63  }
0x151: {  	_ =	swait.ge [sflag:s5], $0x340  }
0x152: {  	[sflag:s5] =	ssyncset.done $0x0  }
0x153: {  	s14 =	simm.s32 $0x0;
	s15 =	simm.s32 $0x40;
	[sflag:s5] =	ssyncadd.s32 $0xFFFFFCC0  }
.LBB2_28:
0x154: {  	p0 =	sne.s32 s15, $0xCC0;
	v0 =	vld [tilespmem:s14+$0x340];
	_ =	sdelay $0x3  }
.Ltmp13:
0x155: {  	(pc) =	sbr.rel @p0 .LBB2_28-.Ltmp13, $4  }
0x156: {  	v1 =	vshll.u32 v0, $0x1  }
0x157: {  	vm0 =	vlt.s32 v0, $0x7D000;
	v0 =	vadd.s32 $0xFFF06001, v1  }
0x158: {  	v0 =	vsel vm0, v1, v0  }
0x159: {  	[tilespmem:s14+$0x340] =	vst v0;
	s14 =	sshra.s32 s15, $0x2;
	s15 =	sadd.s32 $0x40, s15  }
0x15a: {  	v0 =	vld [tilespmem:s14+$0x340];
	_ =	sdelay $0x4  }
0x15b: {  	v1 =	vshll.u32 v0, $0x1  }
0x15c: {  	vm0 =	vlt.s32 v0, $0x7D000;
	v63 =	vadd.s32 $0xFFF06001, v1  }
0x15d: {  	v0 =	vsel vm0, v1, v63  }
0x15e: {  	[tilespmem:s14+$0x340] =	vst v0  }
0x15f: {  	[tilespmem:s8], [sflag:$0x2] =	stream.indirect.gather [hbm4b:s3+s6], $0x40, s6, s6, $0xb8;
	[tilespmem:$0x1A680] =	vst v63  }
0x160: {  	_ =	swait.ge [sflag:s9], $0xD000  }
0x161: {  	[sflag:s9] =	ssyncset.done $0x0  }
0x162: {  	s14 =	simm.s32 $0x0;
	[sflag:s9] =	ssyncadd.s32 $0xFFFF3000  }
0x163: {  	[hbm4b:s31+s14] =	stream.linear.scatter [tilespmem:s7], [sflag:$0x3], $0xD000, $0x38;
	[tilespmem:$0x1A680] =	vst v63  }
0x164: {  	_ =	swait.ge [sflag:s10], $0xD000  }
0x165: {  	[sflag:s10] =	ssyncset.done $0x0  }
0x166: {  	s15 =	rddreg [dreg:$0x11];
	[sflag:s10] =	ssyncadd.s32 $0xFFFF3000  }
0x167: {  	[tilespmem:s14], [sflag:$0x5] =	stream.linear.gather [hbm4b:s15+s14], $0x340, $0x38;
	[tilespmem:$0x1A680] =	vst v63  }
0x168: {  	_ =	swait.ge [sflag:s5], $0x340  }
0x169: {  	[sflag:s5] =	ssyncset.done $0x0  }
0x16a: {  	s14 =	simm.s32 $0x0;
	s15 =	simm.s32 $0x40;
	[sflag:s5] =	ssyncadd.s32 $0xFFFFFCC0  }
.LBB2_30:
0x16b: {  	p0 =	sne.s32 s15, $0xCC0;
	v0 =	vld [tilespmem:s14+$0x0];
	_ =	sdelay $0x3  }
.Ltmp14:
0x16c: {  	(pc) =	sbr.rel @p0 .LBB2_30-.Ltmp14, $4  }
0x16d: {  	v1 =	vshll.u32 v0, $0x1  }
0x16e: {  	vm0 =	vlt.s32 v0, $0x7D000;
	v0 =	vadd.s32 $0xFFF06001, v1  }
0x16f: {  	v0 =	vsel vm0, v1, v0  }
0x170: {  	[tilespmem:s14+$0x0] =	vst v0;
	s14 =	sshra.s32 s15, $0x2;
	s15 =	sadd.s32 $0x40, s15  }
0x171: {  	v0 =	vld [tilespmem:s14+$0x0];
	_ =	sdelay $0x4  }
0x172: {  	v1 =	vshll.u32 v0, $0x1  }
0x173: {  	vm0 =	vlt.s32 v0, $0x7D000;
	v63 =	vadd.s32 $0xFFF06001, v1  }
0x174: {  	v0 =	vsel vm0, v1, v63  }
0x175: {  	s15 =	simm.s32 $0x0;
	[tilespmem:s14+$0x0] =	vst v0  }
0x176: {  	[tilespmem:s7], [sflag:$0x1] =	stream.indirect.gather [hbm4b:s3+s6], $0x40, s15, s6, $0xb8;
	[tilespmem:$0x1A680] =	vst v63  }
0x177: {  	_ =	swait.ge [sflag:s11], $0xD000  }
0x178: {  	[sflag:s11] =	ssyncset.done $0x0  }
0x179: {  	[sflag:s11] =	ssyncadd.s32 $0xFFFF3000  }
0x17a: {  	[hbm4b:s0+s15] =	stream.linear.scatter [tilespmem:s8], [sflag:$0x4], $0xD000, $0x38;
	[tilespmem:$0x1A680] =	vst v63  }
0x17b: {  	_ =	swait.ge [sflag:s12], $0xD000  }
0x17c: {  	[sflag:s12] =	ssyncset.done $0x0  }
0x17d: {  	[sflag:s12] =	ssyncadd.s32 $0xFFFF3000  }
0x17e: {  	[tilespmem:s6], [sflag:$0x5] =	stream.linear.gather [hbm4b:s16+s15], $0x340, $0x38;
	[tilespmem:$0x1A680] =	vst v63  }
0x17f: {  	_ =	swait.ge [sflag:s5], $0x340  }
0x180: {  	[sflag:s5] =	ssyncset.done $0x0  }
0x181: {  	s14 =	simm.s32 $0x0;
	s15 =	simm.s32 $0x40;
	[sflag:s5] =	ssyncadd.s32 $0xFFFFFCC0  }
.LBB2_32:
0x182: {  	p0 =	sne.s32 s15, $0xCC0;
	v0 =	vld [tilespmem:s14+$0x340];
	_ =	sdelay $0x3  }
.Ltmp15:
0x183: {  	(pc) =	sbr.rel @p0 .LBB2_32-.Ltmp15, $4  }
0x184: {  	v1 =	vshll.u32 v0, $0x1  }
0x185: {  	vm0 =	vlt.s32 v0, $0x7D000;
	v0 =	vadd.s32 $0xFFF06001, v1  }
0x186: {  	v0 =	vsel vm0, v1, v0  }
0x187: {  	[tilespmem:s14+$0x340] =	vst v0;
	s14 =	sshra.s32 s15, $0x2;
	s15 =	sadd.s32 $0x40, s15  }
0x188: {  	v0 =	vld [tilespmem:s14+$0x340];
	_ =	sdelay $0x4  }
0x189: {  	v1 =	vshll.u32 v0, $0x1  }
0x18a: {  	vm0 =	vlt.s32 v0, $0x7D000;
	v63 =	vadd.s32 $0xFFF06001, v1  }
0x18b: {  	v0 =	vsel vm0, v1, v63  }
0x18c: {  	[tilespmem:s14+$0x340] =	vst v0  }
0x18d: {  	[tilespmem:s8], [sflag:$0x2] =	stream.indirect.gather [hbm4b:s3+s6], $0x40, s6, s6, $0xb8;
	[tilespmem:$0x1A680] =	vst v63  }
0x18e: {  	_ =	swait.ge [sflag:s9], $0xD000  }
0x18f: {  	[sflag:s9] =	ssyncset.done $0x0  }
0x190: {  	[sflag:s9] =	ssyncadd.s32 $0xFFFF3000  }
0x191: {  	[hbm4b:s1+s17] =	stream.linear.scatter [tilespmem:s7], [sflag:$0x3], $0xD000, $0x38;
	[tilespmem:$0x1A680] =	vst v63  }
0x192: {  	_ =	swait.ge [sflag:s11], $0xD000  }
0x193: {  	[sflag:s11] =	ssyncset.done $0x0  }
0x194: {  	s13 =	sadd.s32 $0x1, s13;
	[sflag:s11] =	ssyncadd.s32 $0xFFFF3000  }
0x195: {  	[hbm4b:s2+s17] =	stream.linear.scatter [tilespmem:s8], [sflag:$0x4], $0xD000, $0x38;
	[tilespmem:$0x1A680] =	vst v63  }
0x196: {  	p0 =	sne.s32 s13, s4;
	_ =	swait.ge [sflag:s10], $0xD000  }
.Ltmp16:
0x197: {  	[sflag:s10] =	ssyncset.done $0x0;
	(pc) =	sbr.rel @p0 .LBB2_1-.Ltmp16, $4  }
0x198: {  	[sflag:s10] =	ssyncadd.s32 $0xFFFF3000  }
0x199: {  	_ =	swait.ge [sflag:s12], $0xD000  }
0x19a: {  	[sflag:s12] =	ssyncset.done $0x0  }
0x19b: {  	[sflag:s12] =	ssyncadd.s32 $0xFFFF3000  }
0x19c: {  	_ =	sfence.sel $0x180000  }
0x19d: {  	[bflag:$0x0] =	sbarrier.arrive $0xFFFF  }
0x19e: {  	_ =	strace $0x90000047  }
0x19f: {  	s0 =	stileid.u32;
	[bflag:$0x2] =	sbarrier.arrive $0xFFFF  }
0x1a0: {  	p0 =	sne.s32 s0, $0x0;
	s0 =	rddreg [dreg:$0x2]  }
0x1a1: {  	s0 =	sadd.s32 @!p0 $0x100000, s0  }
0x1a2: {  	[sflag:s0] =	ssyncadd.tile.s32 @!p0 $0x1;
	_ =	shalt  }
.Lfunc_end2:
_tile_overlayer_lowered:
.L_overlay_start_2:
0x1a3: {  	(tag) =	ssettag $0x2  }
0x1a4: {  	s0 =	rddreg [dreg:$0x0];
	s2 =	stileid.u32  }
0x1a5: {  	s1 =	rddreg [dreg:$0x1];
	p0 =	sne.s32 s2, $0x0  }
0x1a6: {  	s3 =	rddreg [dreg:$0x2];
	[bflag:$0x3] =	sbarrier.arrive $0xFFFF;
	s2 =	simm.s32 @!p0 $0x1C05  }
0x1a7: {  	[timem:s3], [sflag:s2] =	dma.local @!p0 [hbm:s0], s1  }
0x1a8: {  	s0 =	simm.s32 @!p0 $0x5  }
0x1a9: {  	_ =	swait.ge @!p0 [sflag:s0], s1  }
0x1aa: {  	s1 =	ssub.s32 @!p0 $0x0, s1;
	[sflag:s0] =	ssyncset.done @!p0 $0x0  }
0x1ab: {  	[sflag:s0] =	ssyncadd.s32 @!p0 s1  }
0x1ac: {  	[bflag:$0x3] =	sbarrier.arrive $0xFFFF  }
0x1ad: {  	_ =	shalt  }

// kernel: sparse-core-data-format-call.cloned.1.call-start
scs
called_computation_lowered:
.L_overlay_start_0:
0x0: {  	s2 =	sld [smem:$0x3FD9]  }
0x1: {  	s3 =	sld [smem:$0x3FFE];
	_ =	sdelay $0x1  }
0x2: {  	s1 =	srdreg.scid  }
0x3: {  	s0 =	sand.u32 $0x1, s1  }
0x4: {  	s18 =	sshll.u32 s0, $0xA;
	s2 =	sadd.s32 s3, s2  }
0x5: {  	s2 =	sadd.s32 s2, s18  }
0x6: {  	[smem:$0x3FC6] =	sst s2  }
0x7: {  	_ = 	snop  }
0x8: {  	s2 =	sld [smem:$0x3FD0];
	(tm) =	ssettm $0x1  }
0x9: {  	s19 =	sld [smem:$0x3FFB];
	_ =	sdelay $0x3  }
0xa: {  	_ =	strace s19  }
0xb: {  	s3 =	sld [smem:$0x3FFC];
	_ =	sdelay $0x3  }
0xc: {  	_ =	strace s3  }
0xd: {  	s3 =	sld [smem:$0x3FFD];
	_ =	sdelay $0x3  }
0xe: {  	_ =	strace s3  }
0xf: {  	_ =	strace $0x8FFFFFFF  }
0x10: {  	s20 =	sld [smem:$0x3FDB];
	_ =	sdelay $0x1  }
0x11: {  	s4 =	simm.s32 $_scs_section_size  }
0x12: {  	s5 =	simm.s32 $_size__tile_overlayer_lowered;
	s6 =	simm.s32 $_tile_overlayer_lowered  }
0x13: {  	s23 =	simm.s32 $0x1BFF;
	s22 =	sshll.u32 s6, $0x1;
	s3 =	sadd.s32 s4, s20  }
0x14: {  	s7 =	simm.s32 $0x0;
	s21 =	sshll.u32 s5, $0x1;
	s5 =	sadd.s32 s22, s3  }
0x15: {  	[timem:s7], [sflag:s23] =	dma.local [hbm:s5], s21  }
0x16: {  	_ =	swait.ge [sflag:s23], s21  }
0x17: {  	s4 =	ssub.s32 $0x0, s21;
	[sflag:s23] =	ssyncset.done $0x0  }
0x18: {  	[sflag:s23] =	ssyncadd.s32 s4;
	_ =	sdelay $0x1  }
0x19: {  	s24 =	simm.s32 $0x1B8B  }
0x1a: {  	_ =	swait.ge [sflag:s24], $0x1  }
0x1b: {  	[sflag:s24] =	ssyncset.done $0x0  }
0x1c: {  	s26 =	simm.s32 $0x1B8E;
	s25 =	sld [smem:$0x3FFE];
	[sflag:s24] =	ssyncadd.s32 $0xFFFFFFFF  }
0x1d: {  	s27 =	simm.s32 $execute0_lowered;
	[smem:$0x3FD2] =	sst s26  }
0x1e: {  	s5 =	sshll.u32 s27, $0x1;
	_ =	strace $0x80000049;
	[dreg:$0x1] =	wrdreg $0xFFFFFFFF  }
0x1f: {  	s28 =	simm.s32 $_size_execute0_lowered;
	s3 =	sadd.s32 s3, s5;
	[dreg:$0x0] =	wrdreg $0x0  }
0x20: {  	s5 =	sshll.u32 s28, $0x1;
	[dreg:$0x2] =	wrdreg s3  }
0x21: {  	[dreg:$0x3] =	wrdreg s5  }
0x22: {  	[dreg:$0x4] =	wrdreg $0xC0  }
0x23: {  	_ =	task [dreg:s7], $0x5FFFF  }
0x24: {  	[dreg:$0x1] =	wrdreg $0xFFFFFFFF  }
0x25: {  	[dreg:$0x0] =	wrdreg $0x60  }
0x26: {  	[dreg:$0x2] =	wrdreg s25  }
0x27: {  	[dreg:$0x3] =	wrdreg s2  }
0x28: {  	[dreg:$0x4] =	wrdreg $0x9  }
0x29: {  	_ =	task.clear_ibuf [dreg:s7], $0x5FFFF;
	_ =	strace $0x90000049  }
0x2a: {  	s29 =	simm.s32 $0x9;
	_ =	strace $0x8000004B  }
0x2b: {  	_ =	swait.ge [sflag:s29], $0x1  }
0x2c: {  	[sflag:s29] =	ssyncadd.s32 $0xFFFFFFFF  }
0x2d: {  	_ =	strace $0x9000004B  }
0x2e: {  	_ =	sfence  }
0x2f: {  	s30 =	sld [smem:$0x0];
	_ =	sdelay $0x2  }
0x30: {  	s31 =	sshll.u32 s1, $0xD;
	s1 =	sshrl.u32 s1, $0x2  }
0x31: {  	s3 =	sand.u32 $0x4000, s31;
	s1 =	sadd.s32 s1, s30  }
0x32: {  	s0 =	sor.u32 s3, s0;
	s1 =	sshll.u32 s1, $0x11  }
0x33: {  	s0 =	sor.u32 s1, s0  }
0x34: {  	s0 =	sadd.s32 $0x8F2B, s0  }
0x35: {  	[sflag:s0] =	ssyncadd.remote.s32 $0x1  }
0x36: {  	_ =	sfence.sel $0xFFFF  }
0x37: {  	[dreg:$0x0] =	wrdreg $0xFFFFFFFF;
	(pc) =	sbr.abs _section_cstart, $3  }
0x38: {  	[dreg:$0x1] =	wrdreg $0xFFFFFFFF  }
0x39: {  	_ =	task.clear_ibuf [dreg:s7], $0x2FFFF;
	_ =	strace $0x9FFFFFFF  }
0x3a: {  	(tm) =	ssettm $0x7FFFFFFF  }
0x3b: {  	_ =	shalt  }
tec
execute0_lowered:
.L_overlay_start_1:
0x0: {  	(tag) =	ssettag $0x1  }
0x1: {  	s0 =	srdreg.scid  }
0x2: {  	s1 =	sshll.u32 s0, $0x4  }
0x3: {  	s0 =	stileid.u32;
	s1 =	sand.u32 $0x10, s1  }
0x4: {  	s1 =	sor.u32 s0, s1  }
0x5: {  	s6 =	rddreg [dreg:$0x0];
	s4 =	simm.s32 $0x1;
	s2 =	sshll.u32 s1, $0x7  }
0x6: {  	s7 =	simm.s32 $0x2;
	s12 =	simm.s32 $0x0;
	s1 =	ssub.s32 $0x4000, s2  }
0x7: {  	s8 =	simm.s32 $0x20000;
	s13 =	simm.s32 $0x0;
	s3 =	sand.u32 $0xF80, s1  }
0x8: {  	s9 =	simm.s32 $0x0;
	s5 =	sshrl.u32 s1, $0xC;
	p0 =	sne.s32 s3, $0x0  }
.Ltmp0:
0x9: {  	s1 =	rddreg [dreg:$0x2];
	s4 =	simm.s32 @!p0 $0x0;
	(pc) =	sbr.rel .LBB1_1-.Ltmp0, $4  }
0xa: {  	s11 =	simm.s32 $0x0;
	s3 =	rddreg [dreg:$0x1];
	s5 =	sadd.s32 s4, s5  }
0xb: {  	_ =	strace $0x8000004A;
	s4 =	simm.s32 $0x1;
	s5 =	smul.u32 $0x1A, s5  }
0xc: {  	s6 =	sadd.s32 $0x800, s6;
	s10 =	smov.u32 s2;
	[sflag:s4] =	ssyncpa.u1 $0x0  }
0xd: {  	p0 =	por $0x0, $0x0;
	[sflag:s7] =	ssyncpa.u1 $0x0;
	s7 =	sor.u32 $0x1, s5  }
.LBB1_4:
0xe: {  	s16 =	sshll.u32 s13, $0x3;
	s17 =	sand.u32 $0x78, s13  }
0xf: {  	s30 =	sand.u32 $0x1F800, s13;
	s12 =	sshll.u32 s12, $0x11;
	s16 =	sand.u32 $0x3C00, s16  }
0x10: {  	[tilespmem:s15+$0x810 ss:$0x81] =	vst.msk $0xffff, v2;
	s31 =	sand.u32 $0x7, s13;
	s16 =	sor.u32 s17, s16;
	s17 =	sadd.s32 s3, s30  }
0x11: {  	[tilespmem:s15+$0x1020 ss:$0x81] =	vst.msk $0xffff, v0;
	s13 =	sshll.u32 s31, $0x12;
	s12 =	sadd.s32 s12, s17;
	s16 =	sshrl.u32 s16, $0x3  }
0x12: {  	[tilespmem:s15+$0x0 ss:$0x81] =	vst.msk $0xffff, v1;
	s13 =	sor.u32 $0x400, s13;
	s12 =	sadd.s32 s16, s12  }
0x13: {  	[hbm4b:s12+s13] =	stream.strided.scatter [tilespmem:s14], [sflag:$0x2], $0x2000, s8, s13, $0x20;
	[tilespmem:$0x8080] =	vst v63  }
.LBB1_5:
0x14: {  	s14 =	sadd.s32 $0x1, s9  }
0x15: {  	s12 =	sadd.s32 $0x1000, s10;
	s16 =	smov.u32 s10;
	p2 =	sgt.s32 s14, $0x19  }
0x16: {  	s16 =	smov.u32 @p2 s12  }
0x17: {  	s14 =	simm.s32 @p2 $0x0;
	p2 =	sgt.s32 s16, $0x3FFF  }
0x18: {  	s16 =	smov.u32 @p2 s2;
	p2 =	sne.s32 s11, s7  }
.Ltmp1:
0x19: {  	p1 =	slt.u32 s11, $0x2;
	(pc) =	sbr.rel @!p2 .LBB1_6-.Ltmp1, $4  }
0x1a: {  	s15 =	simm.s32 @!p1 $0x2  }
0x1b: {  	s13 =	smov.u32 s10;
	p0 =	por !p0, !p0;
	_ =	swait.ge @!p1 [sflag:s15], $0x2000  }
0x1c: {  	s12 =	smov.u32 s9;
	[sflag:s15] =	ssyncset.done @!p1 $0x0;
	s9 =	smov.u32 s14  }
0x1d: {  	s11 =	sadd.s32 $0x1, s11;
	[sflag:s15] =	ssyncadd.s32 @!p1 $0xFFFFE000;
	s10 =	smov.u32 s16  }
.LBB1_1:
0x1e: {  	p1 =	sge.u32 s11, s5  }
0x1f: {  	s31 =	sadd.s32 $0xFFFFFFFF, s11;
	s14 =	sxor.u32 @!p1 $0xFFFFFFFF, s11  }
0x20: {  	s15 =	sshll.u32 @!p1 s10, $0x9;
	s16 =	sshll.u32 @!p1 s9, $0x4;
	s17 =	simm.s32 @!p1 $0x1000  }
0x21: {  	s14 =	sshll.u32 @!p1 s14, $0xD;
	s16 =	sand.u32 @!p1 $0x1F0, s16;
	s15 =	sadd.s32 @!p1 s6, s15  }
0x22: {  	s14 =	sand.u32 @!p1 $0x2000, s14;
	s15 =	sadd.s32 @!p1 s16, s15;
	s16 =	simm.s32 @!p1 $0x40  }
0x23: {  	[tilespmem:s14], [sflag:$0x1] =	stream.strided.gather @!p1 [hbm4b:s15+s16], $0x2000, s17, s16, $0x38;
	[tilespmem:$0x8080] =	vst v63  }
0x24: {  	p1 =	sge.u32 s31, s5  }
.Ltmp2:
0x25: {  	_ = 	snop;
	(pc) =	sbr.rel @p1 .LBB1_5-.Ltmp2, $1  }
0x26: {  	_ =	sdelay $0x3  }
0x27: {  	s14 =	simm.s32 $0x1  }
0x28: {  	_ =	swait.ge [sflag:s4], $0x2000;
	s14 =	simm.s32 @!p0 $0x0  }
0x29: {  	[sflag:s4] =	ssyncset.done $0x0;
	s15 =	sshll.u32 s14, $0xD  }
0x2a: {  	[sflag:s4] =	ssyncadd.s32 $0xFFFFE000;
	s18 =	sor.u32 $0x20, s15  }
0x2b: {  	s14 =	smul.u32 $0x8100, s14;
	v3 =	vld [tilespmem:s18+$0x10]  }
0x2c: {  	s30 =	sand.u32 $0x1, s11;
	v2 =	vld [tilespmem:s18+$0xFFFFFFF0]  }
0x2d: {  	s15 =	smul.u32 $0x8100, s30;
	s14 =	sshrl.u32 s14, $0x2;
	v0 =	vld [tilespmem:s18+$0x0]  }
0x2e: {  	v1 =	vld [tilespmem:s18+$0xFFFFFFE0];
	s16 =	sor.u32 $0x4000, s14  }
0x2f: {  	s31 =	sshrl.u32 s15, $0x2;
	s15 =	sadd.s32 $0x0, s16  }
0x30: {  	s17 =	simm.s32 $0x4;
	s18 =	sadd.s32 $0x40, s18;
	s14 =	sor.u32 $0x4000, s31;
	[tilespmem:s15+$0x1830 ss:$0x81] =	vst.msk $0xffff, v3  }
.LBB1_3:
0x31: {  	v3 =	vld [tilespmem:s18+$0x10];
	p1 =	sne.s32 s17, $0x1FC;
	[tilespmem:s15+$0x810 ss:$0x81] =	vst.msk $0xffff, v2;
	s19 =	smov.u32 s17;
	s17 =	sadd.s32 $0x4, s17  }
.Ltmp3:
0x32: {  	v2 =	vld [tilespmem:s18+$0xFFFFFFF0];
	[tilespmem:s15+$0x1020 ss:$0x81] =	vst.msk $0xffff, v0;
	(pc) =	sbr.rel @p1 .LBB1_3-.Ltmp3, $4  }
0x33: {  	v0 =	vld [tilespmem:s18+$0x0];
	[tilespmem:s15+$0x0 ss:$0x81] =	vst.msk $0xffff, v1  }
0x34: {  	s15 =	sshra.s32 s19, $0x2;
	v1 =	vld [tilespmem:s18+$0xFFFFFFE0]  }
0x35: {  	s15 =	sadd.s32 s15, s16  }
0x36: {  	s18 =	sadd.s32 $0x40, s18;
	[tilespmem:s15+$0x1830 ss:$0x81] =	vst.msk $0xffff, v3  }
.Ltmp4:
0x37: {  	_ = 	snop;
	(pc) =	sbr.rel .LBB1_4-.Ltmp4, $1  }
0x38: {  	_ =	sdelay $0x3  }
.LBB1_6:
0x39: {  	_ =	sfence.sel $0x180000  }
0x3a: {  	s2 =	simm.s32 $0x1;
	[bflag:$0x0] =	sbarrier.arrive $0xFFFF  }
0x3b: {  	s31 =	simm.s32 $0x2;
	[sflag:s2] =	ssyncpa.u1 $0x1  }
0x3c: {  	[sflag:s31] =	ssyncpa.u1 $0x1  }
0x3d: {  	p0 =	sne.s32 s0, $0x0;
	_ =	strace $0x9000004A  }
0x3e: {  	s0 =	sadd.s32 @!p0 $0x100000, s1;
	[bflag:$0x2] =	sbarrier.arrive $0xFFFF  }
0x3f: {  	[sflag:s0] =	ssyncadd.tile.s32 @!p0 $0x1;
	_ =	shalt  }
.Lfunc_end1:
_tile_overlayer_lowered:
.L_overlay_start_2:
0x40: {  	(tag) =	ssettag $0x2  }
0x41: {  	s0 =	rddreg [dreg:$0x0];
	s2 =	stileid.u32  }
0x42: {  	s1 =	rddreg [dreg:$0x1];
	p0 =	sne.s32 s2, $0x0  }
0x43: {  	s3 =	rddreg [dreg:$0x2];
	[bflag:$0x3] =	sbarrier.arrive $0xFFFF;
	s2 =	simm.s32 @!p0 $0x1C01  }
0x44: {  	[timem:s3], [sflag:s2] =	dma.local @!p0 [hbm:s0], s1  }
0x45: {  	s0 =	simm.s32 @!p0 $0x1  }
0x46: {  	_ =	swait.ge @!p0 [sflag:s0], s1  }
0x47: {  	s1 =	ssub.s32 @!p0 $0x0, s1;
	[sflag:s0] =	ssyncset.done @!p0 $0x0  }
0x48: {  	[sflag:s0] =	ssyncadd.s32 @!p0 s1  }
0x49: {  	[bflag:$0x3] =	sbarrier.arrive $0xFFFF  }
0x4a: {  	_ =	shalt  }

</sc_bundles>
